<compile_context>
chip_gen: v7x
topology: tpu7x:2x2x1
jax: 0.10.2.dev20260603
libtpu: 0.0.44.dev20260713+nightly
codegen_flags: <defaults>
</compile_context>

<pallas_src>
import functools

import jax
import jax.numpy as jnp
from jax import lax
from jax.experimental import pallas as pl
from jax.experimental.pallas import tpu as pltpu
from jax.experimental.pallas import tpu_sc as plsc

D = 6144
L = 16
NSL = D // L
K = 4
EPS = 1e-5

_GDN = lax.GatherDimensionNumbers(
    offset_dims=(), collapsed_slice_dims=(0,), start_index_map=(0,))


def _lane_perm(x, perm2d):
    return lax.gather(x, perm2d, dimension_numbers=_GDN, slice_sizes=(1,),
                      mode=lax.GatherScatterMode.PROMISE_IN_BOUNDS)


@functools.partial(jax.jit, static_argnums=(0,))
def _sc_embed_ln(n_tokens, ids2d, table, gamma, beta):
    NW = 32
    T = n_tokens // NW
    CH = T // K
    HC = CH // 2

    mesh = plsc.VectorSubcoreMesh(core_axis_name="c", subcore_axis_name="s")

    @functools.partial(
        pl.kernel,
        mesh=mesh,
        out_type=jax.ShapeDtypeStruct((n_tokens, D), jnp.float32),
        scratch_types=[
            pltpu.VMEM((CH, K), jnp.int32),
            pltpu.VMEM((K, D), jnp.float32),
            pltpu.VMEM((K, D), jnp.float32),
            pltpu.VMEM((K, D), jnp.float32),
            pltpu.VMEM((K, D), jnp.float32),
            pltpu.VMEM((D,), jnp.float32),
            pltpu.VMEM((D,), jnp.float32),
            pltpu.SemaphoreType.DMA,
            pltpu.SemaphoreType.DMA,
            pltpu.SemaphoreType.DMA,
            pltpu.SemaphoreType.DMA,
        ],
    )
    def k(ids_hbm, table_hbm, gamma_hbm, beta_hbm, out_hbm,
          idx_v, ibuf0, ibuf1, obuf0, obuf1, gamma_v, beta_v,
          gsem0, gsem1, osem0, osem1):
        wid = lax.axis_index("s") * 2 + lax.axis_index("c")
        base = wid * T
        pltpu.sync_copy(ids_hbm.at[pl.ds(wid * CH, CH)], idx_v)
        pltpu.sync_copy(gamma_hbm, gamma_v)
        pltpu.sync_copy(beta_hbm, beta_v)
        plsc.subcore_barrier()

        ibufs, obufs = (ibuf0, ibuf1), (obuf0, obuf1)
        gsems, osems = (gsem0, gsem1), (osem0, osem1)

        lane = lax.iota(jnp.int32, L)
        perms = [jnp.reshape(lane ^ st, (L, 1)) for st in (8, 4, 2, 1)]

        pltpu.async_copy(table_hbm.at[idx_v.at[0]], ibuf0, gsem0)
        pltpu.async_copy(table_hbm.at[idx_v.at[1]], ibuf1, gsem1)

        def pair_body(cc, carry):
            for par in (0, 1):
                c = 2 * cc + par
                ibuf, obuf = ibufs[par], obufs[par]
                gsem, osem = gsems[par], osems[par]
                tok0 = base + c * K

                pltpu.make_async_copy(
                    table_hbm.at[idx_v.at[c]], ibuf, gsem).wait()

                @pl.when(cc >= 1)
                def _():
                    pltpu.make_async_copy(
                        obuf, out_hbm.at[pl.ds(base, K)], osem).wait()

                zero = jnp.zeros((L,), jnp.float32)

                @plsc.parallel_loop(0, NSL, unroll=4, carry=(zero,) * (2 * K))
                def acc(i, acc_in):
                    out = list(acc_in)
                    off = i * L
                    for r in range(K):
                        x = ibuf[r, pl.ds(off, L)]
                        out[2 * r] = out[2 * r] + x
                        out[2 * r + 1] = out[2 * r + 1] + x * x
                    return tuple(out)

                scales, shifts = [], []
                for r in range(K):
                    s, sq = acc[2 * r], acc[2 * r + 1]
                    for p in perms:
                        s = s + _lane_perm(s, p)
                        sq = sq + _lane_perm(sq, p)
                    mean_v = s * (1.0 / D)
                    a_v = sq * (1.0 / D) - mean_v * mean_v + EPS
                    bits = lax.bitcast_convert_type(a_v, jnp.int32)
                    bits = 0x5F3759DF - lax.shift_right_logical(bits, 1)
                    y = lax.bitcast_convert_type(bits, jnp.float32)
                    half = a_v * 0.5
                    for _ in range(2):
                        y = y * (1.5 - half * y * y)
                    scales.append(y)
                    shifts.append(-mean_v * y)

                @plsc.parallel_loop(0, NSL, unroll=6)
                def _(i):
                    off = i * L
                    g = gamma_v[pl.ds(off, L)]
                    b = beta_v[pl.ds(off, L)]
                    for r in range(K):
                        x = ibuf[r, pl.ds(off, L)]
                        t = x * scales[r] + shifts[r]
                        obuf[r, pl.ds(off, L)] = t * g + b

                plsc.subcore_barrier()

                @pl.when(cc < HC - 1)
                def _():
                    pltpu.async_copy(
                        table_hbm.at[idx_v.at[c + 2]], ibuf, gsem)

                pltpu.async_copy(obuf, out_hbm.at[pl.ds(tok0, K)], osem)

            return carry

        lax.fori_loop(0, HC, pair_body, 0)

        pltpu.make_async_copy(obuf0, out_hbm.at[pl.ds(base, K)], osem0).wait()
        pltpu.make_async_copy(obuf1, out_hbm.at[pl.ds(base, K)], osem1).wait()

    return k(ids2d, table, gamma, beta)


def kernel(input_ids, table, gamma, beta):
    b, s = input_ids.shape
    n = b * s
    ids2d = input_ids.reshape(n // K, K).astype(jnp.int32)
    out = _sc_embed_ln(n, ids2d, table, gamma, beta)
    return out.reshape(b, s, D)

# --- scband reference (transcript-rebuilt; emitter-appended) ---
"""Pipeline reference for scband-embeddings-63307817943250 (READ-ONLY COPY).

The authoritative reference and input builder live on the scoring server;
editing this copy changes nothing except your own understanding.
"""

import jax, jax.numpy as jnp
import numpy as np

VOCAB = 50432
D = 6144
B = 4
S = 2048
EPS = 1e-05

def setup_inputs(seed: int = 0) -> dict:
    key = jax.random.key(seed)
    k1, k2 = jax.random.split(key)
    input_ids = jax.random.randint(k1, (B, S), 0, VOCAB, dtype=jnp.int64 if jax.config.jax_enable_x64 else jnp.int32)
    table = jax.random.normal(k2, (VOCAB, D), dtype=jnp.float32) * 0.02
    gamma = jnp.ones((D,), dtype=jnp.float32)
    beta = jnp.zeros((D,), dtype=jnp.float32)
    return {"input_ids": input_ids, "table": table, "gamma": gamma, "beta": beta}

def reference(input_ids, table, gamma, beta):
    # word embedding lookup (gather)
    emb = jnp.take(table, input_ids, axis=0)  # [B, S, D]
    # LayerNorm over last dim
    mean = jnp.mean(emb, axis=-1, keepdims=True)
    var = jnp.mean(jnp.square(emb - mean), axis=-1, keepdims=True)
    normed = (emb - mean) * jax.lax.rsqrt(var + EPS)
    out = normed * gamma + beta
    # dropout is identity in eval mode
    return out

if __name__ == "__main__":
    import jax
    _d = setup_inputs()
    print(jax.jit(kernel)(*tuple(_d.values())))

</pallas_src>

<mosaic_0001>
#map = affine_map<(d0, d1) -> (0, 0)>
#map1 = affine_map<(d0, d1) -> (0)>
module attributes {stable_mosaic.version = 14 : i64} {
  func.func @k(%arg0: i32, %arg1: i32, %arg2: memref<2048x4xi32, #tpu.memory_space<hbm>>, %arg3: memref<50432x6144xf32, #tpu.memory_space<hbm>>, %arg4: memref<6144xf32, #tpu.memory_space<hbm>>, %arg5: memref<6144xf32, #tpu.memory_space<hbm>>, %arg6: memref<8192x6144xf32, #tpu.memory_space<hbm>>, %arg7: memref<64x4xi32, #tpu.memory_space<vmem>>, %arg8: memref<4x6144xf32, #tpu.memory_space<vmem>>, %arg9: memref<4x6144xf32, #tpu.memory_space<vmem>>, %arg10: memref<4x6144xf32, #tpu.memory_space<vmem>>, %arg11: memref<4x6144xf32, #tpu.memory_space<vmem>>, %arg12: memref<6144xf32, #tpu.memory_space<vmem>>, %arg13: memref<6144xf32, #tpu.memory_space<vmem>>, %arg14: memref<!tpu.dma_semaphore, #tpu.memory_space<semaphore_mem>>, %arg15: memref<!tpu.dma_semaphore, #tpu.memory_space<semaphore_mem>>, %arg16: memref<!tpu.dma_semaphore, #tpu.memory_space<semaphore_mem>>, %arg17: memref<!tpu.dma_semaphore, #tpu.memory_space<semaphore_mem>>) attributes {dimension_semantics = [#tpu.dimension_semantics<core_parallel>, #tpu.dimension_semantics<subcore_parallel>], iteration_bounds = array<i64: 2, 16>, scalar_prefetch = 0 : i64, scratch_operands = 11 : i64, tpu.core_type = #tpu.core_type<sc_vector_subcore>, window_params = [{transform_indices = #map}, {transform_indices = #map}, {transform_indices = #map1}, {transform_indices = #map1}, {transform_indices = #map}]} {
    %mul3A = arith.constant 2 : i32
    %mul3A_0 = arith.muli %arg1, %mul3A : i32
    %add3A = arith.addi %mul3A_0, %arg0 : i32
    %mul3A_1 = arith.constant 256 : i32
    %mul3A_2 = arith.muli %add3A, %mul3A_1 : i32
    %mul3A_3 = arith.constant 64 : i32
    %mul3A_4 = arith.muli %add3A, %mul3A_3 : i32
    "tpu.region"() ({
      %run_scoped3A = tpu.sem_alloc : memref<!tpu.dma_semaphore, #tpu.memory_space<semaphore_mem>>
      %dma_start3A_44 = arith.constant 0 : i32
      %dma_start3A_45 = tpu.memref_slice %arg2[%mul3A_4, %dma_start3A_44] : memref<2048x4xi32, #tpu.memory_space<hbm>> -> memref<64x4xi32, #tpu.memory_space<hbm>>
      %dma_start3A_46 = arith.constant 0 : i32
      %dma_start3A_47 = tpu.memref_slice %arg2[%mul3A_4, %dma_start3A_46] : memref<2048x4xi32, #tpu.memory_space<hbm>> -> memref<64x4xi32, #tpu.memory_space<hbm>>
      tpu.enqueue_dma source(%dma_start3A_47 : memref<64x4xi32, #tpu.memory_space<hbm>>) target(%arg7 : memref<64x4xi32, #tpu.memory_space<vmem>>) target_semaphore(%run_scoped3A : memref<!tpu.dma_semaphore, #tpu.memory_space<semaphore_mem>>)
      %dma_wait3A_48 = arith.constant 0 : i32
      %dma_wait3A_49 = tpu.memref_slice %arg2[%mul3A_4, %dma_wait3A_48] : memref<2048x4xi32, #tpu.memory_space<hbm>> -> memref<64x4xi32, #tpu.memory_space<hbm>>
      %dma_wait3A_50 = arith.constant 0 : i32
      %dma_wait3A_51 = tpu.memref_slice %arg2[%mul3A_4, %dma_wait3A_50] : memref<2048x4xi32, #tpu.memory_space<hbm>> -> memref<64x4xi32, #tpu.memory_space<hbm>>
      tpu.wait_dma2 semaphore(%run_scoped3A : memref<!tpu.dma_semaphore, #tpu.memory_space<semaphore_mem>>) src(%dma_wait3A_51 : memref<64x4xi32, #tpu.memory_space<hbm>>) dst(%arg7 : memref<64x4xi32, #tpu.memory_space<vmem>>)
      tpu.yield
    }) : () -> ()
    "tpu.region"() ({
      %run_scoped3A = tpu.sem_alloc : memref<!tpu.dma_semaphore, #tpu.memory_space<semaphore_mem>>
      tpu.enqueue_dma source(%arg4 : memref<6144xf32, #tpu.memory_space<hbm>>) target(%arg12 : memref<6144xf32, #tpu.memory_space<vmem>>) target_semaphore(%run_scoped3A : memref<!tpu.dma_semaphore, #tpu.memory_space<semaphore_mem>>)
      tpu.wait_dma2 semaphore(%run_scoped3A : memref<!tpu.dma_semaphore, #tpu.memory_space<semaphore_mem>>) src(%arg4 : memref<6144xf32, #tpu.memory_space<hbm>>) dst(%arg12 : memref<6144xf32, #tpu.memory_space<vmem>>)
      tpu.yield
    }) : () -> ()
    "tpu.region"() ({
      %run_scoped3A = tpu.sem_alloc : memref<!tpu.dma_semaphore, #tpu.memory_space<semaphore_mem>>
      tpu.enqueue_dma source(%arg5 : memref<6144xf32, #tpu.memory_space<hbm>>) target(%arg13 : memref<6144xf32, #tpu.memory_space<vmem>>) target_semaphore(%run_scoped3A : memref<!tpu.dma_semaphore, #tpu.memory_space<semaphore_mem>>)
      tpu.wait_dma2 semaphore(%run_scoped3A : memref<!tpu.dma_semaphore, #tpu.memory_space<semaphore_mem>>) src(%arg5 : memref<6144xf32, #tpu.memory_space<hbm>>) dst(%arg13 : memref<6144xf32, #tpu.memory_space<vmem>>)
      tpu.yield
    }) : () -> ()
    %barrier3A = arith.constant 0 : index
    tpu.barrier barrier_id(%barrier3A)
    %iota3A = tpu.iota {dimensions = array<i32: 0>} : vector<16xi32>
    %xor3A = arith.constant 8 : i32
    %xor3A_5 = vector.broadcast %xor3A : i32 to vector<16xi32>
    %xor3A_6 = arith.xori %iota3A, %xor3A_5 : vector<16xi32>
    %reshape3A = vector.shape_cast %xor3A_6 : vector<16xi32> to vector<16x1xi32>
    %xor3A_7 = arith.constant 4 : i32
    %xor3A_8 = vector.broadcast %xor3A_7 : i32 to vector<16xi32>
    %xor3A_9 = arith.xori %iota3A, %xor3A_8 : vector<16xi32>
    %reshape3A_10 = vector.shape_cast %xor3A_9 : vector<16xi32> to vector<16x1xi32>
    %xor3A_11 = arith.constant 2 : i32
    %xor3A_12 = vector.broadcast %xor3A_11 : i32 to vector<16xi32>
    %xor3A_13 = arith.xori %iota3A, %xor3A_12 : vector<16xi32>
    %reshape3A_14 = vector.shape_cast %xor3A_13 : vector<16xi32> to vector<16x1xi32>
    %xor3A_15 = arith.constant 1 : i32
    %xor3A_16 = vector.broadcast %xor3A_15 : i32 to vector<16xi32>
    %xor3A_17 = arith.xori %iota3A, %xor3A_16 : vector<16xi32>
    %reshape3A_18 = vector.shape_cast %xor3A_17 : vector<16xi32> to vector<16x1xi32>
    %dma_start3A = arith.constant 0 : i32
    %dma_start3A_19 = arith.constant 0 : i32
    %dma_start3A_20 = tpu.memref_slice %arg7[%dma_start3A, %dma_start3A_19] : memref<64x4xi32, #tpu.memory_space<vmem>> -> memref<1x4xi32, #tpu.memory_space<vmem>>
    %dma_start3A_21 = tpu.memref_squeeze %dma_start3A_20 : memref<1x4xi32, #tpu.memory_space<vmem>> -> memref<4xi32, #tpu.memory_space<vmem>>
    %dma_start3A_22 = arith.constant 0 : i32
    %dma_start3A_23 = arith.constant 0 : i32
    %dma_start3A_24 = tpu.memref_slice %arg3[%dma_start3A_22, %dma_start3A_23] : memref<50432x6144xf32, #tpu.memory_space<hbm>> -> memref<50432x6144xf32, #tpu.memory_space<hbm>>
    tpu.enqueue_indirect_dma source(%dma_start3A_24 : memref<50432x6144xf32, #tpu.memory_space<hbm>>) target(%arg8 : memref<4x6144xf32, #tpu.memory_space<vmem>>) offsets(%dma_start3A_21 : memref<4xi32, #tpu.memory_space<vmem>>) semaphore(%arg14 : memref<!tpu.dma_semaphore, #tpu.memory_space<semaphore_mem>>)
    %dma_start3A_25 = arith.constant 1 : i32
    %dma_start3A_26 = arith.constant 0 : i32
    %dma_start3A_27 = tpu.memref_slice %arg7[%dma_start3A_25, %dma_start3A_26] : memref<64x4xi32, #tpu.memory_space<vmem>> -> memref<1x4xi32, #tpu.memory_space<vmem>>
    %dma_start3A_28 = tpu.memref_squeeze %dma_start3A_27 : memref<1x4xi32, #tpu.memory_space<vmem>> -> memref<4xi32, #tpu.memory_space<vmem>>
    %dma_start3A_29 = arith.constant 0 : i32
    %dma_start3A_30 = arith.constant 0 : i32
    %dma_start3A_31 = tpu.memref_slice %arg3[%dma_start3A_29, %dma_start3A_30] : memref<50432x6144xf32, #tpu.memory_space<hbm>> -> memref<50432x6144xf32, #tpu.memory_space<hbm>>
    tpu.enqueue_indirect_dma source(%dma_start3A_31 : memref<50432x6144xf32, #tpu.memory_space<hbm>>) target(%arg9 : memref<4x6144xf32, #tpu.memory_space<vmem>>) offsets(%dma_start3A_28 : memref<4xi32, #tpu.memory_space<vmem>>) semaphore(%arg15 : memref<!tpu.dma_semaphore, #tpu.memory_space<semaphore_mem>>)
    %scan3A = arith.constant 0 : i32
    %scan3A_32 = arith.constant 0 : i32
    %scan3A_33 = arith.constant 32 : i32
    %scan3A_34 = arith.addi %scan3A_32, %scan3A_33 : i32
    %scan3A_35 = arith.constant 1 : i32
    scf.for %scan3A_44 = %scan3A_32 to %scan3A_34 step %scan3A_35  : i32 {
      %mul3A_45 = arith.constant 2 : i32
      %mul3A_46 = arith.muli %mul3A_45, %scan3A_44 : i32
      %add3A_47 = arith.constant 0 : i32
      %add3A_48 = arith.addi %mul3A_46, %add3A_47 : i32
      %mul3A_49 = arith.constant 4 : i32
      %mul3A_50 = arith.muli %add3A_48, %mul3A_49 : i32
      %add3A_51 = arith.addi %mul3A_2, %mul3A_50 : i32
      %dma_wait3A_52 = arith.constant 0 : i32
      %dma_wait3A_53 = tpu.memref_slice %arg7[%add3A_48, %dma_wait3A_52] : memref<64x4xi32, #tpu.memory_space<vmem>> -> memref<1x4xi32, #tpu.memory_space<vmem>>
      %dma_wait3A_54 = tpu.memref_squeeze %dma_wait3A_53 : memref<1x4xi32, #tpu.memory_space<vmem>> -> memref<4xi32, #tpu.memory_space<vmem>>
      %dma_wait3A_55 = arith.constant 0 : i32
      %dma_wait3A_56 = arith.constant 0 : i32
      %dma_wait3A_57 = tpu.memref_slice %arg3[%dma_wait3A_55, %dma_wait3A_56] : memref<50432x6144xf32, #tpu.memory_space<hbm>> -> memref<50432x6144xf32, #tpu.memory_space<hbm>>
      tpu.wait_indirect_dma semaphore(%arg14 : memref<!tpu.dma_semaphore, #tpu.memory_space<semaphore_mem>>) src(%dma_wait3A_57 : memref<50432x6144xf32, #tpu.memory_space<hbm>>) dst(%arg8 : memref<4x6144xf32, #tpu.memory_space<vmem>>)
      %ge3A = arith.constant 1 : i32
      %ge3A_58 = arith.cmpi sge, %scan3A_44, %ge3A : i32
      %convert_element_type3A = arith.extui %ge3A_58 : i1 to i32
      %cond3A = arith.constant 0 : i32
      %cond3A_59 = arith.cmpi ne, %convert_element_type3A, %cond3A : i32
      scf.if %cond3A_59 {
        %dma_wait3A_604 = arith.constant 0 : i32
        %dma_wait3A_605 = tpu.memref_slice %arg6[%mul3A_2, %dma_wait3A_604] : memref<8192x6144xf32, #tpu.memory_space<hbm>> -> memref<4x6144xf32, #tpu.memory_space<hbm>>
        %dma_wait3A_606 = arith.constant 0 : i32
        %dma_wait3A_607 = tpu.memref_slice %arg6[%mul3A_2, %dma_wait3A_606] : memref<8192x6144xf32, #tpu.memory_space<hbm>> -> memref<4x6144xf32, #tpu.memory_space<hbm>>
        tpu.wait_dma2 semaphore(%arg16 : memref<!tpu.dma_semaphore, #tpu.memory_space<semaphore_mem>>) src(%arg10 : memref<4x6144xf32, #tpu.memory_space<vmem>>) dst(%dma_wait3A_607 : memref<4x6144xf32, #tpu.memory_space<hbm>>)
      } else {
      }
      %broadcast_in_dim3A = arith.constant 0.000000e+00 : f32
      %broadcast_in_dim3A_60 = vector.broadcast %broadcast_in_dim3A : f32 to vector<16xf32>
      %parallel_loop3A = arith.constant 0 : i32
      %parallel_loop3A_61 = arith.constant 384 : i32
      %parallel_loop3A_62 = arith.constant 1 : i32
      %parallel_loop3A_63:8 = scf.for %parallel_loop3A_604 = %parallel_loop3A to %parallel_loop3A_61 step %parallel_loop3A_62 iter_args(%parallel_loop3A_605 = %broadcast_in_dim3A_60, %parallel_loop3A_606 = %broadcast_in_dim3A_60, %parallel_loop3A_607 = %broadcast_in_dim3A_60, %parallel_loop3A_608 = %broadcast_in_dim3A_60, %parallel_loop3A_609 = %broadcast_in_dim3A_60, %parallel_loop3A_610 = %broadcast_in_dim3A_60, %parallel_loop3A_611 = %broadcast_in_dim3A_60, %parallel_loop3A_612 = %broadcast_in_dim3A_60) -> (vector<16xf32>, vector<16xf32>, vector<16xf32>, vector<16xf32>, vector<16xf32>, vector<16xf32>, vector<16xf32>, vector<16xf32>)  : i32 {
        %parallel_loop3A_613 = arith.constant 16 : i32
        %parallel_loop3A_614 = arith.muli %parallel_loop3A_604, %parallel_loop3A_613 : i32
        %parallel_loop3A_615 = arith.constant 0 : i32
        %parallel_loop3A_616 = arith.index_cast %parallel_loop3A_615 : i32 to index
        %parallel_loop3A_617 = arith.index_cast %parallel_loop3A_614 : i32 to index
        %parallel_loop3A_618 = tpu.vector_load %arg8[%parallel_loop3A_616, %parallel_loop3A_617] {strides = array<i32>} : memref<4x6144xf32, #tpu.memory_space<vmem>>, vector<1x16xf32>,
        %parallel_loop3A_619 = vector.shape_cast %parallel_loop3A_618 : vector<1x16xf32> to vector<16xf32>
        %parallel_loop3A_620 = arith.addf %parallel_loop3A_605, %parallel_loop3A_619 : vector<16xf32>
        %parallel_loop3A_621 = arith.mulf %parallel_loop3A_619, %parallel_loop3A_619 : vector<16xf32>
        %parallel_loop3A_622 = arith.addf %parallel_loop3A_606, %parallel_loop3A_621 : vector<16xf32>
        %parallel_loop3A_623 = arith.constant 1 : i32
        %parallel_loop3A_624 = arith.index_cast %parallel_loop3A_623 : i32 to index
        %parallel_loop3A_625 = arith.index_cast %parallel_loop3A_614 : i32 to index
        %parallel_loop3A_626 = tpu.vector_load %arg8[%parallel_loop3A_624, %parallel_loop3A_625] {strides = array<i32>} : memref<4x6144xf32, #tpu.memory_space<vmem>>, vector<1x16xf32>,
        %parallel_loop3A_627 = vector.shape_cast %parallel_loop3A_626 : vector<1x16xf32> to vector<16xf32>
        %parallel_loop3A_628 = arith.addf %parallel_loop3A_607, %parallel_loop3A_627 : vector<16xf32>
        %parallel_loop3A_629 = arith.mulf %parallel_loop3A_627, %parallel_loop3A_627 : vector<16xf32>
        %parallel_loop3A_630 = arith.addf %parallel_loop3A_608, %parallel_loop3A_629 : vector<16xf32>
        %parallel_loop3A_631 = arith.constant 2 : i32
        %parallel_loop3A_632 = arith.index_cast %parallel_loop3A_631 : i32 to index
        %parallel_loop3A_633 = arith.index_cast %parallel_loop3A_614 : i32 to index
        %parallel_loop3A_634 = tpu.vector_load %arg8[%parallel_loop3A_632, %parallel_loop3A_633] {strides = array<i32>} : memref<4x6144xf32, #tpu.memory_space<vmem>>, vector<1x16xf32>,
        %parallel_loop3A_635 = vector.shape_cast %parallel_loop3A_634 : vector<1x16xf32> to vector<16xf32>
        %parallel_loop3A_636 = arith.addf %parallel_loop3A_609, %parallel_loop3A_635 : vector<16xf32>
        %parallel_loop3A_637 = arith.mulf %parallel_loop3A_635, %parallel_loop3A_635 : vector<16xf32>
        %parallel_loop3A_638 = arith.addf %parallel_loop3A_610, %parallel_loop3A_637 : vector<16xf32>
        %parallel_loop3A_639 = arith.constant 3 : i32
        %parallel_loop3A_640 = arith.index_cast %parallel_loop3A_639 : i32 to index
        %parallel_loop3A_641 = arith.index_cast %parallel_loop3A_614 : i32 to index
        %parallel_loop3A_642 = tpu.vector_load %arg8[%parallel_loop3A_640, %parallel_loop3A_641] {strides = array<i32>} : memref<4x6144xf32, #tpu.memory_space<vmem>>, vector<1x16xf32>,
        %parallel_loop3A_643 = vector.shape_cast %parallel_loop3A_642 : vector<1x16xf32> to vector<16xf32>
        %parallel_loop3A_644 = arith.addf %parallel_loop3A_611, %parallel_loop3A_643 : vector<16xf32>
        %parallel_loop3A_645 = arith.mulf %parallel_loop3A_643, %parallel_loop3A_643 : vector<16xf32>
        %parallel_loop3A_646 = arith.addf %parallel_loop3A_612, %parallel_loop3A_645 : vector<16xf32>
        scf.yield %parallel_loop3A_620, %parallel_loop3A_622, %parallel_loop3A_628, %parallel_loop3A_630, %parallel_loop3A_636, %parallel_loop3A_638, %parallel_loop3A_644, %parallel_loop3A_646 : vector<16xf32>, vector<16xf32>, vector<16xf32>, vector<16xf32>, vector<16xf32>, vector<16xf32>, vector<16xf32>, vector<16xf32>
      } {sc.loop_unroll_factor = 4 : i64, sc.parallel_access}
      %gather3A = vector.shape_cast %reshape3A : vector<16x1xi32> to vector<16xi32>
      %gather3A_64 = tpu.dynamic_gather %parallel_loop3A_63#0[%gather3A] in [0] : vector<16xf32>, vector<16xi32> -> vector<16xf32>
      %add3A_65 = arith.addf %parallel_loop3A_63#0, %gather3A_64 : vector<16xf32>
      %gather3A_66 = vector.shape_cast %reshape3A : vector<16x1xi32> to vector<16xi32>
      %gather3A_67 = tpu.dynamic_gather %parallel_loop3A_63#1[%gather3A_66] in [0] : vector<16xf32>, vector<16xi32> -> vector<16xf32>
      %add3A_68 = arith.addf %parallel_loop3A_63#1, %gather3A_67 : vector<16xf32>
      %gather3A_69 = vector.shape_cast %reshape3A_10 : vector<16x1xi32> to vector<16xi32>
      %gather3A_70 = tpu.dynamic_gather %add3A_65[%gather3A_69] in [0] : vector<16xf32>, vector<16xi32> -> vector<16xf32>
      %add3A_71 = arith.addf %add3A_65, %gather3A_70 : vector<16xf32>
      %gather3A_72 = vector.shape_cast %reshape3A_10 : vector<16x1xi32> to vector<16xi32>
      %gather3A_73 = tpu.dynamic_gather %add3A_68[%gather3A_72] in [0] : vector<16xf32>, vector<16xi32> -> vector<16xf32>
      %add3A_74 = arith.addf %add3A_68, %gather3A_73 : vector<16xf32>
      %gather3A_75 = vector.shape_cast %reshape3A_14 : vector<16x1xi32> to vector<16xi32>
      %gather3A_76 = tpu.dynamic_gather %add3A_71[%gather3A_75] in [0] : vector<16xf32>, vector<16xi32> -> vector<16xf32>
      %add3A_77 = arith.addf %add3A_71, %gather3A_76 : vector<16xf32>
      %gather3A_78 = vector.shape_cast %reshape3A_14 : vector<16x1xi32> to vector<16xi32>
      %gather3A_79 = tpu.dynamic_gather %add3A_74[%gather3A_78] in [0] : vector<16xf32>, vector<16xi32> -> vector<16xf32>
      %add3A_80 = arith.addf %add3A_74, %gather3A_79 : vector<16xf32>
      %gather3A_81 = vector.shape_cast %reshape3A_18 : vector<16x1xi32> to vector<16xi32>
      %gather3A_82 = tpu.dynamic_gather %add3A_77[%gather3A_81] in [0] : vector<16xf32>, vector<16xi32> -> vector<16xf32>
      %add3A_83 = arith.addf %add3A_77, %gather3A_82 : vector<16xf32>
      %gather3A_84 = vector.shape_cast %reshape3A_18 : vector<16x1xi32> to vector<16xi32>
      %gather3A_85 = tpu.dynamic_gather %add3A_80[%gather3A_84] in [0] : vector<16xf32>, vector<16xi32> -> vector<16xf32>
      %add3A_86 = arith.addf %add3A_80, %gather3A_85 : vector<16xf32>
      %mul3A_87 = arith.constant 1.62760422E-4 : f32
      %mul3A_88 = vector.broadcast %mul3A_87 : f32 to vector<16xf32>
      %mul3A_89 = arith.mulf %add3A_83, %mul3A_88 : vector<16xf32>
      %mul3A_90 = arith.constant 1.62760422E-4 : f32
      %mul3A_91 = vector.broadcast %mul3A_90 : f32 to vector<16xf32>
      %mul3A_92 = arith.mulf %add3A_86, %mul3A_91 : vector<16xf32>
      %mul3A_93 = arith.mulf %mul3A_89, %mul3A_89 : vector<16xf32>
      %sub3A = arith.subf %mul3A_92, %mul3A_93 : vector<16xf32>
      %add3A_94 = arith.constant 9.99999974E-6 : f32
      %add3A_95 = vector.broadcast %add3A_94 : f32 to vector<16xf32>
      %add3A_96 = arith.addf %sub3A, %add3A_95 : vector<16xf32>
      %bitcast_convert_type3A = tpu.bitcast %add3A_96 : vector<16xf32> -> vector<16xi32>
      %shift_right_logical3A = arith.constant 1 : i32
      %shift_right_logical3A_97 = vector.broadcast %shift_right_logical3A : i32 to vector<16xi32>
      %shift_right_logical3A_98 = arith.shrui %bitcast_convert_type3A, %shift_right_logical3A_97 : vector<16xi32>
      %sub3A_99 = arith.constant 1597463007 : i32
      %sub3A_100 = vector.broadcast %sub3A_99 : i32 to vector<16xi32>
      %sub3A_101 = arith.subi %sub3A_100, %shift_right_logical3A_98 : vector<16xi32>
      %bitcast_convert_type3A_102 = tpu.bitcast %sub3A_101 : vector<16xi32> -> vector<16xf32>
      %mul3A_103 = arith.constant 5.000000e-01 : f32
      %mul3A_104 = vector.broadcast %mul3A_103 : f32 to vector<16xf32>
      %mul3A_105 = arith.mulf %add3A_96, %mul3A_104 : vector<16xf32>
      %mul3A_106 = arith.mulf %mul3A_105, %bitcast_convert_type3A_102 : vector<16xf32>
      %mul3A_107 = arith.mulf %mul3A_106, %bitcast_convert_type3A_102 : vector<16xf32>
      %sub3A_108 = arith.constant 1.500000e+00 : f32
      %sub3A_109 = vector.broadcast %sub3A_108 : f32 to vector<16xf32>
      %sub3A_110 = arith.subf %sub3A_109, %mul3A_107 : vector<16xf32>
      %mul3A_111 = arith.mulf %bitcast_convert_type3A_102, %sub3A_110 : vector<16xf32>
      %mul3A_112 = arith.mulf %mul3A_105, %mul3A_111 : vector<16xf32>
      %mul3A_113 = arith.mulf %mul3A_112, %mul3A_111 : vector<16xf32>
      %sub3A_114 = arith.constant 1.500000e+00 : f32
      %sub3A_115 = vector.broadcast %sub3A_114 : f32 to vector<16xf32>
      %sub3A_116 = arith.subf %sub3A_115, %mul3A_113 : vector<16xf32>
      %mul3A_117 = arith.mulf %mul3A_111, %sub3A_116 : vector<16xf32>
      %neg3A = arith.constant 0.000000e+00 : f32
      %neg3A_118 = vector.broadcast %neg3A : f32 to vector<16xf32>
      %neg3A_119 = arith.subf %neg3A_118, %mul3A_89 : vector<16xf32>
      %mul3A_120 = arith.mulf %neg3A_119, %mul3A_117 : vector<16xf32>
      %gather3A_121 = vector.shape_cast %reshape3A : vector<16x1xi32> to vector<16xi32>
      %gather3A_122 = tpu.dynamic_gather %parallel_loop3A_63#2[%gather3A_121] in [0] : vector<16xf32>, vector<16xi32> -> vector<16xf32>
      %add3A_123 = arith.addf %parallel_loop3A_63#2, %gather3A_122 : vector<16xf32>
      %gather3A_124 = vector.shape_cast %reshape3A : vector<16x1xi32> to vector<16xi32>
      %gather3A_125 = tpu.dynamic_gather %parallel_loop3A_63#3[%gather3A_124] in [0] : vector<16xf32>, vector<16xi32> -> vector<16xf32>
      %add3A_126 = arith.addf %parallel_loop3A_63#3, %gather3A_125 : vector<16xf32>
      %gather3A_127 = vector.shape_cast %reshape3A_10 : vector<16x1xi32> to vector<16xi32>
      %gather3A_128 = tpu.dynamic_gather %add3A_123[%gather3A_127] in [0] : vector<16xf32>, vector<16xi32> -> vector<16xf32>
      %add3A_129 = arith.addf %add3A_123, %gather3A_128 : vector<16xf32>
      %gather3A_130 = vector.shape_cast %reshape3A_10 : vector<16x1xi32> to vector<16xi32>
      %gather3A_131 = tpu.dynamic_gather %add3A_126[%gather3A_130] in [0] : vector<16xf32>, vector<16xi32> -> vector<16xf32>
      %add3A_132 = arith.addf %add3A_126, %gather3A_131 : vector<16xf32>
      %gather3A_133 = vector.shape_cast %reshape3A_14 : vector<16x1xi32> to vector<16xi32>
      %gather3A_134 = tpu.dynamic_gather %add3A_129[%gather3A_133] in [0] : vector<16xf32>, vector<16xi32> -> vector<16xf32>
      %add3A_135 = arith.addf %add3A_129, %gather3A_134 : vector<16xf32>
      %gather3A_136 = vector.shape_cast %reshape3A_14 : vector<16x1xi32> to vector<16xi32>
      %gather3A_137 = tpu.dynamic_gather %add3A_132[%gather3A_136] in [0] : vector<16xf32>, vector<16xi32> -> vector<16xf32>
      %add3A_138 = arith.addf %add3A_132, %gather3A_137 : vector<16xf32>
      %gather3A_139 = vector.shape_cast %reshape3A_18 : vector<16x1xi32> to vector<16xi32>
      %gather3A_140 = tpu.dynamic_gather %add3A_135[%gather3A_139] in [0] : vector<16xf32>, vector<16xi32> -> vector<16xf32>
      %add3A_141 = arith.addf %add3A_135, %gather3A_140 : vector<16xf32>
      %gather3A_142 = vector.shape_cast %reshape3A_18 : vector<16x1xi32> to vector<16xi32>
      %gather3A_143 = tpu.dynamic_gather %add3A_138[%gather3A_142] in [0] : vector<16xf32>, vector<16xi32> -> vector<16xf32>
      %add3A_144 = arith.addf %add3A_138, %gather3A_143 : vector<16xf32>
      %mul3A_145 = arith.constant 1.62760422E-4 : f32
      %mul3A_146 = vector.broadcast %mul3A_145 : f32 to vector<16xf32>
      %mul3A_147 = arith.mulf %add3A_141, %mul3A_146 : vector<16xf32>
      %mul3A_148 = arith.constant 1.62760422E-4 : f32
      %mul3A_149 = vector.broadcast %mul3A_148 : f32 to vector<16xf32>
      %mul3A_150 = arith.mulf %add3A_144, %mul3A_149 : vector<16xf32>
      %mul3A_151 = arith.mulf %mul3A_147, %mul3A_147 : vector<16xf32>
      %sub3A_152 = arith.subf %mul3A_150, %mul3A_151 : vector<16xf32>
      %add3A_153 = arith.constant 9.99999974E-6 : f32
      %add3A_154 = vector.broadcast %add3A_153 : f32 to vector<16xf32>
      %add3A_155 = arith.addf %sub3A_152, %add3A_154 : vector<16xf32>
      %bitcast_convert_type3A_156 = tpu.bitcast %add3A_155 : vector<16xf32> -> vector<16xi32>
      %shift_right_logical3A_157 = arith.constant 1 : i32
      %shift_right_logical3A_158 = vector.broadcast %shift_right_logical3A_157 : i32 to vector<16xi32>
      %shift_right_logical3A_159 = arith.shrui %bitcast_convert_type3A_156, %shift_right_logical3A_158 : vector<16xi32>
      %sub3A_160 = arith.constant 1597463007 : i32
      %sub3A_161 = vector.broadcast %sub3A_160 : i32 to vector<16xi32>
      %sub3A_162 = arith.subi %sub3A_161, %shift_right_logical3A_159 : vector<16xi32>
      %bitcast_convert_type3A_163 = tpu.bitcast %sub3A_162 : vector<16xi32> -> vector<16xf32>
      %mul3A_164 = arith.constant 5.000000e-01 : f32
      %mul3A_165 = vector.broadcast %mul3A_164 : f32 to vector<16xf32>
      %mul3A_166 = arith.mulf %add3A_155, %mul3A_165 : vector<16xf32>
      %mul3A_167 = arith.mulf %mul3A_166, %bitcast_convert_type3A_163 : vector<16xf32>
      %mul3A_168 = arith.mulf %mul3A_167, %bitcast_convert_type3A_163 : vector<16xf32>
      %sub3A_169 = arith.constant 1.500000e+00 : f32
      %sub3A_170 = vector.broadcast %sub3A_169 : f32 to vector<16xf32>
      %sub3A_171 = arith.subf %sub3A_170, %mul3A_168 : vector<16xf32>
      %mul3A_172 = arith.mulf %bitcast_convert_type3A_163, %sub3A_171 : vector<16xf32>
      %mul3A_173 = arith.mulf %mul3A_166, %mul3A_172 : vector<16xf32>
      %mul3A_174 = arith.mulf %mul3A_173, %mul3A_172 : vector<16xf32>
      %sub3A_175 = arith.constant 1.500000e+00 : f32
      %sub3A_176 = vector.broadcast %sub3A_175 : f32 to vector<16xf32>
      %sub3A_177 = arith.subf %sub3A_176, %mul3A_174 : vector<16xf32>
      %mul3A_178 = arith.mulf %mul3A_172, %sub3A_177 : vector<16xf32>
      %neg3A_179 = arith.constant 0.000000e+00 : f32
      %neg3A_180 = vector.broadcast %neg3A_179 : f32 to vector<16xf32>
      %neg3A_181 = arith.subf %neg3A_180, %mul3A_147 : vector<16xf32>
      %mul3A_182 = arith.mulf %neg3A_181, %mul3A_178 : vector<16xf32>
      %gather3A_183 = vector.shape_cast %reshape3A : vector<16x1xi32> to vector<16xi32>
      %gather3A_184 = tpu.dynamic_gather %parallel_loop3A_63#4[%gather3A_183] in [0] : vector<16xf32>, vector<16xi32> -> vector<16xf32>
      %add3A_185 = arith.addf %parallel_loop3A_63#4, %gather3A_184 : vector<16xf32>
      %gather3A_186 = vector.shape_cast %reshape3A : vector<16x1xi32> to vector<16xi32>
      %gather3A_187 = tpu.dynamic_gather %parallel_loop3A_63#5[%gather3A_186] in [0] : vector<16xf32>, vector<16xi32> -> vector<16xf32>
      %add3A_188 = arith.addf %parallel_loop3A_63#5, %gather3A_187 : vector<16xf32>
      %gather3A_189 = vector.shape_cast %reshape3A_10 : vector<16x1xi32> to vector<16xi32>
      %gather3A_190 = tpu.dynamic_gather %add3A_185[%gather3A_189] in [0] : vector<16xf32>, vector<16xi32> -> vector<16xf32>
      %add3A_191 = arith.addf %add3A_185, %gather3A_190 : vector<16xf32>
      %gather3A_192 = vector.shape_cast %reshape3A_10 : vector<16x1xi32> to vector<16xi32>
      %gather3A_193 = tpu.dynamic_gather %add3A_188[%gather3A_192] in [0] : vector<16xf32>, vector<16xi32> -> vector<16xf32>
      %add3A_194 = arith.addf %add3A_188, %gather3A_193 : vector<16xf32>
      %gather3A_195 = vector.shape_cast %reshape3A_14 : vector<16x1xi32> to vector<16xi32>
      %gather3A_196 = tpu.dynamic_gather %add3A_191[%gather3A_195] in [0] : vector<16xf32>, vector<16xi32> -> vector<16xf32>
      %add3A_197 = arith.addf %add3A_191, %gather3A_196 : vector<16xf32>
      %gather3A_198 = vector.shape_cast %reshape3A_14 : vector<16x1xi32> to vector<16xi32>
      %gather3A_199 = tpu.dynamic_gather %add3A_194[%gather3A_198] in [0] : vector<16xf32>, vector<16xi32> -> vector<16xf32>
      %add3A_200 = arith.addf %add3A_194, %gather3A_199 : vector<16xf32>
      %gather3A_201 = vector.shape_cast %reshape3A_18 : vector<16x1xi32> to vector<16xi32>
      %gather3A_202 = tpu.dynamic_gather %add3A_197[%gather3A_201] in [0] : vector<16xf32>, vector<16xi32> -> vector<16xf32>
      %add3A_203 = arith.addf %add3A_197, %gather3A_202 : vector<16xf32>
      %gather3A_204 = vector.shape_cast %reshape3A_18 : vector<16x1xi32> to vector<16xi32>
      %gather3A_205 = tpu.dynamic_gather %add3A_200[%gather3A_204] in [0] : vector<16xf32>, vector<16xi32> -> vector<16xf32>
      %add3A_206 = arith.addf %add3A_200, %gather3A_205 : vector<16xf32>
      %mul3A_207 = arith.constant 1.62760422E-4 : f32
      %mul3A_208 = vector.broadcast %mul3A_207 : f32 to vector<16xf32>
      %mul3A_209 = arith.mulf %add3A_203, %mul3A_208 : vector<16xf32>
      %mul3A_210 = arith.constant 1.62760422E-4 : f32
      %mul3A_211 = vector.broadcast %mul3A_210 : f32 to vector<16xf32>
      %mul3A_212 = arith.mulf %add3A_206, %mul3A_211 : vector<16xf32>
      %mul3A_213 = arith.mulf %mul3A_209, %mul3A_209 : vector<16xf32>
      %sub3A_214 = arith.subf %mul3A_212, %mul3A_213 : vector<16xf32>
      %add3A_215 = arith.constant 9.99999974E-6 : f32
      %add3A_216 = vector.broadcast %add3A_215 : f32 to vector<16xf32>
      %add3A_217 = arith.addf %sub3A_214, %add3A_216 : vector<16xf32>
      %bitcast_convert_type3A_218 = tpu.bitcast %add3A_217 : vector<16xf32> -> vector<16xi32>
      %shift_right_logical3A_219 = arith.constant 1 : i32
      %shift_right_logical3A_220 = vector.broadcast %shift_right_logical3A_219 : i32 to vector<16xi32>
      %shift_right_logical3A_221 = arith.shrui %bitcast_convert_type3A_218, %shift_right_logical3A_220 : vector<16xi32>
      %sub3A_222 = arith.constant 1597463007 : i32
      %sub3A_223 = vector.broadcast %sub3A_222 : i32 to vector<16xi32>
      %sub3A_224 = arith.subi %sub3A_223, %shift_right_logical3A_221 : vector<16xi32>
      %bitcast_convert_type3A_225 = tpu.bitcast %sub3A_224 : vector<16xi32> -> vector<16xf32>
      %mul3A_226 = arith.constant 5.000000e-01 : f32
      %mul3A_227 = vector.broadcast %mul3A_226 : f32 to vector<16xf32>
      %mul3A_228 = arith.mulf %add3A_217, %mul3A_227 : vector<16xf32>
      %mul3A_229 = arith.mulf %mul3A_228, %bitcast_convert_type3A_225 : vector<16xf32>
      %mul3A_230 = arith.mulf %mul3A_229, %bitcast_convert_type3A_225 : vector<16xf32>
      %sub3A_231 = arith.constant 1.500000e+00 : f32
      %sub3A_232 = vector.broadcast %sub3A_231 : f32 to vector<16xf32>
      %sub3A_233 = arith.subf %sub3A_232, %mul3A_230 : vector<16xf32>
      %mul3A_234 = arith.mulf %bitcast_convert_type3A_225, %sub3A_233 : vector<16xf32>
      %mul3A_235 = arith.mulf %mul3A_228, %mul3A_234 : vector<16xf32>
      %mul3A_236 = arith.mulf %mul3A_235, %mul3A_234 : vector<16xf32>
      %sub3A_237 = arith.constant 1.500000e+00 : f32
      %sub3A_238 = vector.broadcast %sub3A_237 : f32 to vector<16xf32>
      %sub3A_239 = arith.subf %sub3A_238, %mul3A_236 : vector<16xf32>
      %mul3A_240 = arith.mulf %mul3A_234, %sub3A_239 : vector<16xf32>
      %neg3A_241 = arith.constant 0.000000e+00 : f32
      %neg3A_242 = vector.broadcast %neg3A_241 : f32 to vector<16xf32>
      %neg3A_243 = arith.subf %neg3A_242, %mul3A_209 : vector<16xf32>
      %mul3A_244 = arith.mulf %neg3A_243, %mul3A_240 : vector<16xf32>
      %gather3A_245 = vector.shape_cast %reshape3A : vector<16x1xi32> to vector<16xi32>
      %gather3A_246 = tpu.dynamic_gather %parallel_loop3A_63#6[%gather3A_245] in [0] : vector<16xf32>, vector<16xi32> -> vector<16xf32>
      %add3A_247 = arith.addf %parallel_loop3A_63#6, %gather3A_246 : vector<16xf32>
      %gather3A_248 = vector.shape_cast %reshape3A : vector<16x1xi32> to vector<16xi32>
      %gather3A_249 = tpu.dynamic_gather %parallel_loop3A_63#7[%gather3A_248] in [0] : vector<16xf32>, vector<16xi32> -> vector<16xf32>
      %add3A_250 = arith.addf %parallel_loop3A_63#7, %gather3A_249 : vector<16xf32>
      %gather3A_251 = vector.shape_cast %reshape3A_10 : vector<16x1xi32> to vector<16xi32>
      %gather3A_252 = tpu.dynamic_gather %add3A_247[%gather3A_251] in [0] : vector<16xf32>, vector<16xi32> -> vector<16xf32>
      %add3A_253 = arith.addf %add3A_247, %gather3A_252 : vector<16xf32>
      %gather3A_254 = vector.shape_cast %reshape3A_10 : vector<16x1xi32> to vector<16xi32>
      %gather3A_255 = tpu.dynamic_gather %add3A_250[%gather3A_254] in [0] : vector<16xf32>, vector<16xi32> -> vector<16xf32>
      %add3A_256 = arith.addf %add3A_250, %gather3A_255 : vector<16xf32>
      %gather3A_257 = vector.shape_cast %reshape3A_14 : vector<16x1xi32> to vector<16xi32>
      %gather3A_258 = tpu.dynamic_gather %add3A_253[%gather3A_257] in [0] : vector<16xf32>, vector<16xi32> -> vector<16xf32>
      %add3A_259 = arith.addf %add3A_253, %gather3A_258 : vector<16xf32>
      %gather3A_260 = vector.shape_cast %reshape3A_14 : vector<16x1xi32> to vector<16xi32>
      %gather3A_261 = tpu.dynamic_gather %add3A_256[%gather3A_260] in [0] : vector<16xf32>, vector<16xi32> -> vector<16xf32>
      %add3A_262 = arith.addf %add3A_256, %gather3A_261 : vector<16xf32>
      %gather3A_263 = vector.shape_cast %reshape3A_18 : vector<16x1xi32> to vector<16xi32>
      %gather3A_264 = tpu.dynamic_gather %add3A_259[%gather3A_263] in [0] : vector<16xf32>, vector<16xi32> -> vector<16xf32>
      %add3A_265 = arith.addf %add3A_259, %gather3A_264 : vector<16xf32>
      %gather3A_266 = vector.shape_cast %reshape3A_18 : vector<16x1xi32> to vector<16xi32>
      %gather3A_267 = tpu.dynamic_gather %add3A_262[%gather3A_266] in [0] : vector<16xf32>, vector<16xi32> -> vector<16xf32>
      %add3A_268 = arith.addf %add3A_262, %gather3A_267 : vector<16xf32>
      %mul3A_269 = arith.constant 1.62760422E-4 : f32
      %mul3A_270 = vector.broadcast %mul3A_269 : f32 to vector<16xf32>
      %mul3A_271 = arith.mulf %add3A_265, %mul3A_270 : vector<16xf32>
      %mul3A_272 = arith.constant 1.62760422E-4 : f32
      %mul3A_273 = vector.broadcast %mul3A_272 : f32 to vector<16xf32>
      %mul3A_274 = arith.mulf %add3A_268, %mul3A_273 : vector<16xf32>
      %mul3A_275 = arith.mulf %mul3A_271, %mul3A_271 : vector<16xf32>
      %sub3A_276 = arith.subf %mul3A_274, %mul3A_275 : vector<16xf32>
      %add3A_277 = arith.constant 9.99999974E-6 : f32
      %add3A_278 = vector.broadcast %add3A_277 : f32 to vector<16xf32>
      %add3A_279 = arith.addf %sub3A_276, %add3A_278 : vector<16xf32>
      %bitcast_convert_type3A_280 = tpu.bitcast %add3A_279 : vector<16xf32> -> vector<16xi32>
      %shift_right_logical3A_281 = arith.constant 1 : i32
      %shift_right_logical3A_282 = vector.broadcast %shift_right_logical3A_281 : i32 to vector<16xi32>
      %shift_right_logical3A_283 = arith.shrui %bitcast_convert_type3A_280, %shift_right_logical3A_282 : vector<16xi32>
      %sub3A_284 = arith.constant 1597463007 : i32
      %sub3A_285 = vector.broadcast %sub3A_284 : i32 to vector<16xi32>
      %sub3A_286 = arith.subi %sub3A_285, %shift_right_logical3A_283 : vector<16xi32>
      %bitcast_convert_type3A_287 = tpu.bitcast %sub3A_286 : vector<16xi32> -> vector<16xf32>
      %mul3A_288 = arith.constant 5.000000e-01 : f32
      %mul3A_289 = vector.broadcast %mul3A_288 : f32 to vector<16xf32>
      %mul3A_290 = arith.mulf %add3A_279, %mul3A_289 : vector<16xf32>
      %mul3A_291 = arith.mulf %mul3A_290, %bitcast_convert_type3A_287 : vector<16xf32>
      %mul3A_292 = arith.mulf %mul3A_291, %bitcast_convert_type3A_287 : vector<16xf32>
      %sub3A_293 = arith.constant 1.500000e+00 : f32
      %sub3A_294 = vector.broadcast %sub3A_293 : f32 to vector<16xf32>
      %sub3A_295 = arith.subf %sub3A_294, %mul3A_292 : vector<16xf32>
      %mul3A_296 = arith.mulf %bitcast_convert_type3A_287, %sub3A_295 : vector<16xf32>
      %mul3A_297 = arith.mulf %mul3A_290, %mul3A_296 : vector<16xf32>
      %mul3A_298 = arith.mulf %mul3A_297, %mul3A_296 : vector<16xf32>
      %sub3A_299 = arith.constant 1.500000e+00 : f32
      %sub3A_300 = vector.broadcast %sub3A_299 : f32 to vector<16xf32>
      %sub3A_301 = arith.subf %sub3A_300, %mul3A_298 : vector<16xf32>
      %mul3A_302 = arith.mulf %mul3A_296, %sub3A_301 : vector<16xf32>
      %neg3A_303 = arith.constant 0.000000e+00 : f32
      %neg3A_304 = vector.broadcast %neg3A_303 : f32 to vector<16xf32>
      %neg3A_305 = arith.subf %neg3A_304, %mul3A_271 : vector<16xf32>
      %mul3A_306 = arith.mulf %neg3A_305, %mul3A_302 : vector<16xf32>
      %parallel_loop3A_307 = arith.constant 0 : i32
      %parallel_loop3A_308 = arith.constant 384 : i32
      %parallel_loop3A_309 = arith.constant 1 : i32
      scf.for %parallel_loop3A_604 = %parallel_loop3A_307 to %parallel_loop3A_308 step %parallel_loop3A_309  : i32 {
        %parallel_loop3A_605 = arith.constant 16 : i32
        %parallel_loop3A_606 = arith.muli %parallel_loop3A_604, %parallel_loop3A_605 : i32
        %parallel_loop3A_607 = arith.index_cast %parallel_loop3A_606 : i32 to index
        %parallel_loop3A_608 = tpu.vector_load %arg12[%parallel_loop3A_607] {strides = array<i32>} : memref<6144xf32, #tpu.memory_space<vmem>>, vector<16xf32>,
        %parallel_loop3A_609 = vector.shape_cast %parallel_loop3A_608 : vector<16xf32> to vector<16xf32>
        %parallel_loop3A_610 = arith.index_cast %parallel_loop3A_606 : i32 to index
        %parallel_loop3A_611 = tpu.vector_load %arg13[%parallel_loop3A_610] {strides = array<i32>} : memref<6144xf32, #tpu.memory_space<vmem>>, vector<16xf32>,
        %parallel_loop3A_612 = vector.shape_cast %parallel_loop3A_611 : vector<16xf32> to vector<16xf32>
        %parallel_loop3A_613 = arith.constant 0 : i32
        %parallel_loop3A_614 = arith.index_cast %parallel_loop3A_613 : i32 to index
        %parallel_loop3A_615 = arith.index_cast %parallel_loop3A_606 : i32 to index
        %parallel_loop3A_616 = tpu.vector_load %arg8[%parallel_loop3A_614, %parallel_loop3A_615] {strides = array<i32>} : memref<4x6144xf32, #tpu.memory_space<vmem>>, vector<1x16xf32>,
        %parallel_loop3A_617 = vector.shape_cast %parallel_loop3A_616 : vector<1x16xf32> to vector<16xf32>
        %parallel_loop3A_618 = arith.mulf %parallel_loop3A_617, %mul3A_117 : vector<16xf32>
        %parallel_loop3A_619 = arith.addf %parallel_loop3A_618, %mul3A_120 : vector<16xf32>
        %parallel_loop3A_620 = arith.mulf %parallel_loop3A_619, %parallel_loop3A_609 : vector<16xf32>
        %parallel_loop3A_621 = arith.addf %parallel_loop3A_620, %parallel_loop3A_612 : vector<16xf32>
        %parallel_loop3A_622 = arith.constant 0 : i32
        %parallel_loop3A_623 = arith.index_cast %parallel_loop3A_622 : i32 to index
        %parallel_loop3A_624 = arith.index_cast %parallel_loop3A_606 : i32 to index
        %parallel_loop3A_625 = tpu.vector_load %arg10[%parallel_loop3A_623, %parallel_loop3A_624] {strides = array<i32>} : memref<4x6144xf32, #tpu.memory_space<vmem>>, vector<1x16xf32>,
        %parallel_loop3A_626 = vector.shape_cast %parallel_loop3A_625 : vector<1x16xf32> to vector<16xf32>
        %parallel_loop3A_627 = vector.shape_cast %parallel_loop3A_621 : vector<16xf32> to vector<1x16xf32>
        tpu.vector_store %arg10[%parallel_loop3A_623, %parallel_loop3A_624], %parallel_loop3A_627 {strides = array<i32>} : memref<4x6144xf32, #tpu.memory_space<vmem>>, vector<1x16xf32>,
        %parallel_loop3A_628 = arith.constant 1 : i32
        %parallel_loop3A_629 = arith.index_cast %parallel_loop3A_628 : i32 to index
        %parallel_loop3A_630 = arith.index_cast %parallel_loop3A_606 : i32 to index
        %parallel_loop3A_631 = tpu.vector_load %arg8[%parallel_loop3A_629, %parallel_loop3A_630] {strides = array<i32>} : memref<4x6144xf32, #tpu.memory_space<vmem>>, vector<1x16xf32>,
        %parallel_loop3A_632 = vector.shape_cast %parallel_loop3A_631 : vector<1x16xf32> to vector<16xf32>
        %parallel_loop3A_633 = arith.mulf %parallel_loop3A_632, %mul3A_178 : vector<16xf32>
        %parallel_loop3A_634 = arith.addf %parallel_loop3A_633, %mul3A_182 : vector<16xf32>
        %parallel_loop3A_635 = arith.mulf %parallel_loop3A_634, %parallel_loop3A_609 : vector<16xf32>
        %parallel_loop3A_636 = arith.addf %parallel_loop3A_635, %parallel_loop3A_612 : vector<16xf32>
        %parallel_loop3A_637 = arith.constant 1 : i32
        %parallel_loop3A_638 = arith.index_cast %parallel_loop3A_637 : i32 to index
        %parallel_loop3A_639 = arith.index_cast %parallel_loop3A_606 : i32 to index
        %parallel_loop3A_640 = tpu.vector_load %arg10[%parallel_loop3A_638, %parallel_loop3A_639] {strides = array<i32>} : memref<4x6144xf32, #tpu.memory_space<vmem>>, vector<1x16xf32>,
        %parallel_loop3A_641 = vector.shape_cast %parallel_loop3A_640 : vector<1x16xf32> to vector<16xf32>
        %parallel_loop3A_642 = vector.shape_cast %parallel_loop3A_636 : vector<16xf32> to vector<1x16xf32>
        tpu.vector_store %arg10[%parallel_loop3A_638, %parallel_loop3A_639], %parallel_loop3A_642 {strides = array<i32>} : memref<4x6144xf32, #tpu.memory_space<vmem>>, vector<1x16xf32>,
        %parallel_loop3A_643 = arith.constant 2 : i32
        %parallel_loop3A_644 = arith.index_cast %parallel_loop3A_643 : i32 to index
        %parallel_loop3A_645 = arith.index_cast %parallel_loop3A_606 : i32 to index
        %parallel_loop3A_646 = tpu.vector_load %arg8[%parallel_loop3A_644, %parallel_loop3A_645] {strides = array<i32>} : memref<4x6144xf32, #tpu.memory_space<vmem>>, vector<1x16xf32>,
        %parallel_loop3A_647 = vector.shape_cast %parallel_loop3A_646 : vector<1x16xf32> to vector<16xf32>
        %parallel_loop3A_648 = arith.mulf %parallel_loop3A_647, %mul3A_240 : vector<16xf32>
        %parallel_loop3A_649 = arith.addf %parallel_loop3A_648, %mul3A_244 : vector<16xf32>
        %parallel_loop3A_650 = arith.mulf %parallel_loop3A_649, %parallel_loop3A_609 : vector<16xf32>
        %parallel_loop3A_651 = arith.addf %parallel_loop3A_650, %parallel_loop3A_612 : vector<16xf32>
        %parallel_loop3A_652 = arith.constant 2 : i32
        %parallel_loop3A_653 = arith.index_cast %parallel_loop3A_652 : i32 to index
        %parallel_loop3A_654 = arith.index_cast %parallel_loop3A_606 : i32 to index
        %parallel_loop3A_655 = tpu.vector_load %arg10[%parallel_loop3A_653, %parallel_loop3A_654] {strides = array<i32>} : memref<4x6144xf32, #tpu.memory_space<vmem>>, vector<1x16xf32>,
        %parallel_loop3A_656 = vector.shape_cast %parallel_loop3A_655 : vector<1x16xf32> to vector<16xf32>
        %parallel_loop3A_657 = vector.shape_cast %parallel_loop3A_651 : vector<16xf32> to vector<1x16xf32>
        tpu.vector_store %arg10[%parallel_loop3A_653, %parallel_loop3A_654], %parallel_loop3A_657 {strides = array<i32>} : memref<4x6144xf32, #tpu.memory_space<vmem>>, vector<1x16xf32>,
        %parallel_loop3A_658 = arith.constant 3 : i32
        %parallel_loop3A_659 = arith.index_cast %parallel_loop3A_658 : i32 to index
        %parallel_loop3A_660 = arith.index_cast %parallel_loop3A_606 : i32 to index
        %parallel_loop3A_661 = tpu.vector_load %arg8[%parallel_loop3A_659, %parallel_loop3A_660] {strides = array<i32>} : memref<4x6144xf32, #tpu.memory_space<vmem>>, vector<1x16xf32>,
        %parallel_loop3A_662 = vector.shape_cast %parallel_loop3A_661 : vector<1x16xf32> to vector<16xf32>
        %parallel_loop3A_663 = arith.mulf %parallel_loop3A_662, %mul3A_302 : vector<16xf32>
        %parallel_loop3A_664 = arith.addf %parallel_loop3A_663, %mul3A_306 : vector<16xf32>
        %parallel_loop3A_665 = arith.mulf %parallel_loop3A_664, %parallel_loop3A_609 : vector<16xf32>
        %parallel_loop3A_666 = arith.addf %parallel_loop3A_665, %parallel_loop3A_612 : vector<16xf32>
        %parallel_loop3A_667 = arith.constant 3 : i32
        %parallel_loop3A_668 = arith.index_cast %parallel_loop3A_667 : i32 to index
        %parallel_loop3A_669 = arith.index_cast %parallel_loop3A_606 : i32 to index
        %parallel_loop3A_670 = tpu.vector_load %arg10[%parallel_loop3A_668, %parallel_loop3A_669] {strides = array<i32>} : memref<4x6144xf32, #tpu.memory_space<vmem>>, vector<1x16xf32>,
        %parallel_loop3A_671 = vector.shape_cast %parallel_loop3A_670 : vector<1x16xf32> to vector<16xf32>
        %parallel_loop3A_672 = vector.shape_cast %parallel_loop3A_666 : vector<16xf32> to vector<1x16xf32>
        tpu.vector_store %arg10[%parallel_loop3A_668, %parallel_loop3A_669], %parallel_loop3A_672 {strides = array<i32>} : memref<4x6144xf32, #tpu.memory_space<vmem>>, vector<1x16xf32>,
      } {sc.loop_unroll_factor = 6 : i64, sc.parallel_access}
      %barrier3A_310 = arith.constant 0 : index
      tpu.barrier barrier_id(%barrier3A_310)
      %lt3A = arith.constant 31 : i32
      %lt3A_311 = arith.cmpi slt, %scan3A_44, %lt3A : i32
      %convert_element_type3A_312 = arith.extui %lt3A_311 : i1 to i32
      %cond3A_313 = arith.constant 0 : i32
      %cond3A_314 = arith.cmpi ne, %convert_element_type3A_312, %cond3A_313 : i32
      scf.if %cond3A_314 {
        %add3A_604 = arith.constant 2 : i32
        %add3A_605 = arith.addi %add3A_48, %add3A_604 : i32
        %dma_start3A_606 = arith.constant 0 : i32
        %dma_start3A_607 = tpu.memref_slice %arg7[%add3A_605, %dma_start3A_606] : memref<64x4xi32, #tpu.memory_space<vmem>> -> memref<1x4xi32, #tpu.memory_space<vmem>>
        %dma_start3A_608 = tpu.memref_squeeze %dma_start3A_607 : memref<1x4xi32, #tpu.memory_space<vmem>> -> memref<4xi32, #tpu.memory_space<vmem>>
        %dma_start3A_609 = arith.constant 0 : i32
        %dma_start3A_610 = arith.constant 0 : i32
        %dma_start3A_611 = tpu.memref_slice %arg3[%dma_start3A_609, %dma_start3A_610] : memref<50432x6144xf32, #tpu.memory_space<hbm>> -> memref<50432x6144xf32, #tpu.memory_space<hbm>>
        tpu.enqueue_indirect_dma source(%dma_start3A_611 : memref<50432x6144xf32, #tpu.memory_space<hbm>>) target(%arg8 : memref<4x6144xf32, #tpu.memory_space<vmem>>) offsets(%dma_start3A_608 : memref<4xi32, #tpu.memory_space<vmem>>) semaphore(%arg14 : memref<!tpu.dma_semaphore, #tpu.memory_space<semaphore_mem>>)
      } else {
      }
      %dma_start3A_315 = arith.constant 0 : i32
      %dma_start3A_316 = tpu.memref_slice %arg6[%add3A_51, %dma_start3A_315] : memref<8192x6144xf32, #tpu.memory_space<hbm>> -> memref<4x6144xf32, #tpu.memory_space<hbm>>
      %dma_start3A_317 = arith.constant 0 : i32
      %dma_start3A_318 = tpu.memref_slice %arg6[%add3A_51, %dma_start3A_317] : memref<8192x6144xf32, #tpu.memory_space<hbm>> -> memref<4x6144xf32, #tpu.memory_space<hbm>>
      tpu.enqueue_dma source(%arg10 : memref<4x6144xf32, #tpu.memory_space<vmem>>) target(%dma_start3A_318 : memref<4x6144xf32, #tpu.memory_space<hbm>>) target_semaphore(%arg16 : memref<!tpu.dma_semaphore, #tpu.memory_space<semaphore_mem>>)
      %mul3A_319 = arith.constant 2 : i32
      %mul3A_320 = arith.muli %mul3A_319, %scan3A_44 : i32
      %add3A_321 = arith.constant 1 : i32
      %add3A_322 = arith.addi %mul3A_320, %add3A_321 : i32
      %mul3A_323 = arith.constant 4 : i32
      %mul3A_324 = arith.muli %add3A_322, %mul3A_323 : i32
      %add3A_325 = arith.addi %mul3A_2, %mul3A_324 : i32
      %dma_wait3A_326 = arith.constant 0 : i32
      %dma_wait3A_327 = tpu.memref_slice %arg7[%add3A_322, %dma_wait3A_326] : memref<64x4xi32, #tpu.memory_space<vmem>> -> memref<1x4xi32, #tpu.memory_space<vmem>>
      %dma_wait3A_328 = tpu.memref_squeeze %dma_wait3A_327 : memref<1x4xi32, #tpu.memory_space<vmem>> -> memref<4xi32, #tpu.memory_space<vmem>>
      %dma_wait3A_329 = arith.constant 0 : i32
      %dma_wait3A_330 = arith.constant 0 : i32
      %dma_wait3A_331 = tpu.memref_slice %arg3[%dma_wait3A_329, %dma_wait3A_330] : memref<50432x6144xf32, #tpu.memory_space<hbm>> -> memref<50432x6144xf32, #tpu.memory_space<hbm>>
      tpu.wait_indirect_dma semaphore(%arg15 : memref<!tpu.dma_semaphore, #tpu.memory_space<semaphore_mem>>) src(%dma_wait3A_331 : memref<50432x6144xf32, #tpu.memory_space<hbm>>) dst(%arg9 : memref<4x6144xf32, #tpu.memory_space<vmem>>)
      %ge3A_332 = arith.constant 1 : i32
      %ge3A_333 = arith.cmpi sge, %scan3A_44, %ge3A_332 : i32
      %convert_element_type3A_334 = arith.extui %ge3A_333 : i1 to i32
      %cond3A_335 = arith.constant 0 : i32
      %cond3A_336 = arith.cmpi ne, %convert_element_type3A_334, %cond3A_335 : i32
      scf.if %cond3A_336 {
        %dma_wait3A_604 = arith.constant 0 : i32
        %dma_wait3A_605 = tpu.memref_slice %arg6[%mul3A_2, %dma_wait3A_604] : memref<8192x6144xf32, #tpu.memory_space<hbm>> -> memref<4x6144xf32, #tpu.memory_space<hbm>>
        %dma_wait3A_606 = arith.constant 0 : i32
        %dma_wait3A_607 = tpu.memref_slice %arg6[%mul3A_2, %dma_wait3A_606] : memref<8192x6144xf32, #tpu.memory_space<hbm>> -> memref<4x6144xf32, #tpu.memory_space<hbm>>
        tpu.wait_dma2 semaphore(%arg17 : memref<!tpu.dma_semaphore, #tpu.memory_space<semaphore_mem>>) src(%arg11 : memref<4x6144xf32, #tpu.memory_space<vmem>>) dst(%dma_wait3A_607 : memref<4x6144xf32, #tpu.memory_space<hbm>>)
      } else {
      }
      %broadcast_in_dim3A_337 = arith.constant 0.000000e+00 : f32
      %broadcast_in_dim3A_338 = vector.broadcast %broadcast_in_dim3A_337 : f32 to vector<16xf32>
      %parallel_loop3A_339 = arith.constant 0 : i32
      %parallel_loop3A_340 = arith.constant 384 : i32
      %parallel_loop3A_341 = arith.constant 1 : i32
      %parallel_loop3A_342:8 = scf.for %parallel_loop3A_604 = %parallel_loop3A_339 to %parallel_loop3A_340 step %parallel_loop3A_341 iter_args(%parallel_loop3A_605 = %broadcast_in_dim3A_338, %parallel_loop3A_606 = %broadcast_in_dim3A_338, %parallel_loop3A_607 = %broadcast_in_dim3A_338, %parallel_loop3A_608 = %broadcast_in_dim3A_338, %parallel_loop3A_609 = %broadcast_in_dim3A_338, %parallel_loop3A_610 = %broadcast_in_dim3A_338, %parallel_loop3A_611 = %broadcast_in_dim3A_338, %parallel_loop3A_612 = %broadcast_in_dim3A_338) -> (vector<16xf32>, vector<16xf32>, vector<16xf32>, vector<16xf32>, vector<16xf32>, vector<16xf32>, vector<16xf32>, vector<16xf32>)  : i32 {
        %parallel_loop3A_613 = arith.constant 16 : i32
        %parallel_loop3A_614 = arith.muli %parallel_loop3A_604, %parallel_loop3A_613 : i32
        %parallel_loop3A_615 = arith.constant 0 : i32
        %parallel_loop3A_616 = arith.index_cast %parallel_loop3A_615 : i32 to index
        %parallel_loop3A_617 = arith.index_cast %parallel_loop3A_614 : i32 to index
        %parallel_loop3A_618 = tpu.vector_load %arg9[%parallel_loop3A_616, %parallel_loop3A_617] {strides = array<i32>} : memref<4x6144xf32, #tpu.memory_space<vmem>>, vector<1x16xf32>,
        %parallel_loop3A_619 = vector.shape_cast %parallel_loop3A_618 : vector<1x16xf32> to vector<16xf32>
        %parallel_loop3A_620 = arith.addf %parallel_loop3A_605, %parallel_loop3A_619 : vector<16xf32>
        %parallel_loop3A_621 = arith.mulf %parallel_loop3A_619, %parallel_loop3A_619 : vector<16xf32>
        %parallel_loop3A_622 = arith.addf %parallel_loop3A_606, %parallel_loop3A_621 : vector<16xf32>
        %parallel_loop3A_623 = arith.constant 1 : i32
        %parallel_loop3A_624 = arith.index_cast %parallel_loop3A_623 : i32 to index
        %parallel_loop3A_625 = arith.index_cast %parallel_loop3A_614 : i32 to index
        %parallel_loop3A_626 = tpu.vector_load %arg9[%parallel_loop3A_624, %parallel_loop3A_625] {strides = array<i32>} : memref<4x6144xf32, #tpu.memory_space<vmem>>, vector<1x16xf32>,
        %parallel_loop3A_627 = vector.shape_cast %parallel_loop3A_626 : vector<1x16xf32> to vector<16xf32>
        %parallel_loop3A_628 = arith.addf %parallel_loop3A_607, %parallel_loop3A_627 : vector<16xf32>
        %parallel_loop3A_629 = arith.mulf %parallel_loop3A_627, %parallel_loop3A_627 : vector<16xf32>
        %parallel_loop3A_630 = arith.addf %parallel_loop3A_608, %parallel_loop3A_629 : vector<16xf32>
        %parallel_loop3A_631 = arith.constant 2 : i32
        %parallel_loop3A_632 = arith.index_cast %parallel_loop3A_631 : i32 to index
        %parallel_loop3A_633 = arith.index_cast %parallel_loop3A_614 : i32 to index
        %parallel_loop3A_634 = tpu.vector_load %arg9[%parallel_loop3A_632, %parallel_loop3A_633] {strides = array<i32>} : memref<4x6144xf32, #tpu.memory_space<vmem>>, vector<1x16xf32>,
        %parallel_loop3A_635 = vector.shape_cast %parallel_loop3A_634 : vector<1x16xf32> to vector<16xf32>
        %parallel_loop3A_636 = arith.addf %parallel_loop3A_609, %parallel_loop3A_635 : vector<16xf32>
        %parallel_loop3A_637 = arith.mulf %parallel_loop3A_635, %parallel_loop3A_635 : vector<16xf32>
        %parallel_loop3A_638 = arith.addf %parallel_loop3A_610, %parallel_loop3A_637 : vector<16xf32>
        %parallel_loop3A_639 = arith.constant 3 : i32
        %parallel_loop3A_640 = arith.index_cast %parallel_loop3A_639 : i32 to index
        %parallel_loop3A_641 = arith.index_cast %parallel_loop3A_614 : i32 to index
        %parallel_loop3A_642 = tpu.vector_load %arg9[%parallel_loop3A_640, %parallel_loop3A_641] {strides = array<i32>} : memref<4x6144xf32, #tpu.memory_space<vmem>>, vector<1x16xf32>,
        %parallel_loop3A_643 = vector.shape_cast %parallel_loop3A_642 : vector<1x16xf32> to vector<16xf32>
        %parallel_loop3A_644 = arith.addf %parallel_loop3A_611, %parallel_loop3A_643 : vector<16xf32>
        %parallel_loop3A_645 = arith.mulf %parallel_loop3A_643, %parallel_loop3A_643 : vector<16xf32>
        %parallel_loop3A_646 = arith.addf %parallel_loop3A_612, %parallel_loop3A_645 : vector<16xf32>
        scf.yield %parallel_loop3A_620, %parallel_loop3A_622, %parallel_loop3A_628, %parallel_loop3A_630, %parallel_loop3A_636, %parallel_loop3A_638, %parallel_loop3A_644, %parallel_loop3A_646 : vector<16xf32>, vector<16xf32>, vector<16xf32>, vector<16xf32>, vector<16xf32>, vector<16xf32>, vector<16xf32>, vector<16xf32>
      } {sc.loop_unroll_factor = 4 : i64, sc.parallel_access}
      %gather3A_343 = vector.shape_cast %reshape3A : vector<16x1xi32> to vector<16xi32>
      %gather3A_344 = tpu.dynamic_gather %parallel_loop3A_342#0[%gather3A_343] in [0] : vector<16xf32>, vector<16xi32> -> vector<16xf32>
      %add3A_345 = arith.addf %parallel_loop3A_342#0, %gather3A_344 : vector<16xf32>
      %gather3A_346 = vector.shape_cast %reshape3A : vector<16x1xi32> to vector<16xi32>
      %gather3A_347 = tpu.dynamic_gather %parallel_loop3A_342#1[%gather3A_346] in [0] : vector<16xf32>, vector<16xi32> -> vector<16xf32>
      %add3A_348 = arith.addf %parallel_loop3A_342#1, %gather3A_347 : vector<16xf32>
      %gather3A_349 = vector.shape_cast %reshape3A_10 : vector<16x1xi32> to vector<16xi32>
      %gather3A_350 = tpu.dynamic_gather %add3A_345[%gather3A_349] in [0] : vector<16xf32>, vector<16xi32> -> vector<16xf32>
      %add3A_351 = arith.addf %add3A_345, %gather3A_350 : vector<16xf32>
      %gather3A_352 = vector.shape_cast %reshape3A_10 : vector<16x1xi32> to vector<16xi32>
      %gather3A_353 = tpu.dynamic_gather %add3A_348[%gather3A_352] in [0] : vector<16xf32>, vector<16xi32> -> vector<16xf32>
      %add3A_354 = arith.addf %add3A_348, %gather3A_353 : vector<16xf32>
      %gather3A_355 = vector.shape_cast %reshape3A_14 : vector<16x1xi32> to vector<16xi32>
      %gather3A_356 = tpu.dynamic_gather %add3A_351[%gather3A_355] in [0] : vector<16xf32>, vector<16xi32> -> vector<16xf32>
      %add3A_357 = arith.addf %add3A_351, %gather3A_356 : vector<16xf32>
      %gather3A_358 = vector.shape_cast %reshape3A_14 : vector<16x1xi32> to vector<16xi32>
      %gather3A_359 = tpu.dynamic_gather %add3A_354[%gather3A_358] in [0] : vector<16xf32>, vector<16xi32> -> vector<16xf32>
      %add3A_360 = arith.addf %add3A_354, %gather3A_359 : vector<16xf32>
      %gather3A_361 = vector.shape_cast %reshape3A_18 : vector<16x1xi32> to vector<16xi32>
      %gather3A_362 = tpu.dynamic_gather %add3A_357[%gather3A_361] in [0] : vector<16xf32>, vector<16xi32> -> vector<16xf32>
      %add3A_363 = arith.addf %add3A_357, %gather3A_362 : vector<16xf32>
      %gather3A_364 = vector.shape_cast %reshape3A_18 : vector<16x1xi32> to vector<16xi32>
      %gather3A_365 = tpu.dynamic_gather %add3A_360[%gather3A_364] in [0] : vector<16xf32>, vector<16xi32> -> vector<16xf32>
      %add3A_366 = arith.addf %add3A_360, %gather3A_365 : vector<16xf32>
      %mul3A_367 = arith.constant 1.62760422E-4 : f32
      %mul3A_368 = vector.broadcast %mul3A_367 : f32 to vector<16xf32>
      %mul3A_369 = arith.mulf %add3A_363, %mul3A_368 : vector<16xf32>
      %mul3A_370 = arith.constant 1.62760422E-4 : f32
      %mul3A_371 = vector.broadcast %mul3A_370 : f32 to vector<16xf32>
      %mul3A_372 = arith.mulf %add3A_366, %mul3A_371 : vector<16xf32>
      %mul3A_373 = arith.mulf %mul3A_369, %mul3A_369 : vector<16xf32>
      %sub3A_374 = arith.subf %mul3A_372, %mul3A_373 : vector<16xf32>
      %add3A_375 = arith.constant 9.99999974E-6 : f32
      %add3A_376 = vector.broadcast %add3A_375 : f32 to vector<16xf32>
      %add3A_377 = arith.addf %sub3A_374, %add3A_376 : vector<16xf32>
      %bitcast_convert_type3A_378 = tpu.bitcast %add3A_377 : vector<16xf32> -> vector<16xi32>
      %shift_right_logical3A_379 = arith.constant 1 : i32
      %shift_right_logical3A_380 = vector.broadcast %shift_right_logical3A_379 : i32 to vector<16xi32>
      %shift_right_logical3A_381 = arith.shrui %bitcast_convert_type3A_378, %shift_right_logical3A_380 : vector<16xi32>
      %sub3A_382 = arith.constant 1597463007 : i32
      %sub3A_383 = vector.broadcast %sub3A_382 : i32 to vector<16xi32>
      %sub3A_384 = arith.subi %sub3A_383, %shift_right_logical3A_381 : vector<16xi32>
      %bitcast_convert_type3A_385 = tpu.bitcast %sub3A_384 : vector<16xi32> -> vector<16xf32>
      %mul3A_386 = arith.constant 5.000000e-01 : f32
      %mul3A_387 = vector.broadcast %mul3A_386 : f32 to vector<16xf32>
      %mul3A_388 = arith.mulf %add3A_377, %mul3A_387 : vector<16xf32>
      %mul3A_389 = arith.mulf %mul3A_388, %bitcast_convert_type3A_385 : vector<16xf32>
      %mul3A_390 = arith.mulf %mul3A_389, %bitcast_convert_type3A_385 : vector<16xf32>
      %sub3A_391 = arith.constant 1.500000e+00 : f32
      %sub3A_392 = vector.broadcast %sub3A_391 : f32 to vector<16xf32>
      %sub3A_393 = arith.subf %sub3A_392, %mul3A_390 : vector<16xf32>
      %mul3A_394 = arith.mulf %bitcast_convert_type3A_385, %sub3A_393 : vector<16xf32>
      %mul3A_395 = arith.mulf %mul3A_388, %mul3A_394 : vector<16xf32>
      %mul3A_396 = arith.mulf %mul3A_395, %mul3A_394 : vector<16xf32>
      %sub3A_397 = arith.constant 1.500000e+00 : f32
      %sub3A_398 = vector.broadcast %sub3A_397 : f32 to vector<16xf32>
      %sub3A_399 = arith.subf %sub3A_398, %mul3A_396 : vector<16xf32>
      %mul3A_400 = arith.mulf %mul3A_394, %sub3A_399 : vector<16xf32>
      %neg3A_401 = arith.constant 0.000000e+00 : f32
      %neg3A_402 = vector.broadcast %neg3A_401 : f32 to vector<16xf32>
      %neg3A_403 = arith.subf %neg3A_402, %mul3A_369 : vector<16xf32>
      %mul3A_404 = arith.mulf %neg3A_403, %mul3A_400 : vector<16xf32>
      %gather3A_405 = vector.shape_cast %reshape3A : vector<16x1xi32> to vector<16xi32>
      %gather3A_406 = tpu.dynamic_gather %parallel_loop3A_342#2[%gather3A_405] in [0] : vector<16xf32>, vector<16xi32> -> vector<16xf32>
      %add3A_407 = arith.addf %parallel_loop3A_342#2, %gather3A_406 : vector<16xf32>
      %gather3A_408 = vector.shape_cast %reshape3A : vector<16x1xi32> to vector<16xi32>
      %gather3A_409 = tpu.dynamic_gather %parallel_loop3A_342#3[%gather3A_408] in [0] : vector<16xf32>, vector<16xi32> -> vector<16xf32>
      %add3A_410 = arith.addf %parallel_loop3A_342#3, %gather3A_409 : vector<16xf32>
      %gather3A_411 = vector.shape_cast %reshape3A_10 : vector<16x1xi32> to vector<16xi32>
      %gather3A_412 = tpu.dynamic_gather %add3A_407[%gather3A_411] in [0] : vector<16xf32>, vector<16xi32> -> vector<16xf32>
      %add3A_413 = arith.addf %add3A_407, %gather3A_412 : vector<16xf32>
      %gather3A_414 = vector.shape_cast %reshape3A_10 : vector<16x1xi32> to vector<16xi32>
      %gather3A_415 = tpu.dynamic_gather %add3A_410[%gather3A_414] in [0] : vector<16xf32>, vector<16xi32> -> vector<16xf32>
      %add3A_416 = arith.addf %add3A_410, %gather3A_415 : vector<16xf32>
      %gather3A_417 = vector.shape_cast %reshape3A_14 : vector<16x1xi32> to vector<16xi32>
      %gather3A_418 = tpu.dynamic_gather %add3A_413[%gather3A_417] in [0] : vector<16xf32>, vector<16xi32> -> vector<16xf32>
      %add3A_419 = arith.addf %add3A_413, %gather3A_418 : vector<16xf32>
      %gather3A_420 = vector.shape_cast %reshape3A_14 : vector<16x1xi32> to vector<16xi32>
      %gather3A_421 = tpu.dynamic_gather %add3A_416[%gather3A_420] in [0] : vector<16xf32>, vector<16xi32> -> vector<16xf32>
      %add3A_422 = arith.addf %add3A_416, %gather3A_421 : vector<16xf32>
      %gather3A_423 = vector.shape_cast %reshape3A_18 : vector<16x1xi32> to vector<16xi32>
      %gather3A_424 = tpu.dynamic_gather %add3A_419[%gather3A_423] in [0] : vector<16xf32>, vector<16xi32> -> vector<16xf32>
      %add3A_425 = arith.addf %add3A_419, %gather3A_424 : vector<16xf32>
      %gather3A_426 = vector.shape_cast %reshape3A_18 : vector<16x1xi32> to vector<16xi32>
      %gather3A_427 = tpu.dynamic_gather %add3A_422[%gather3A_426] in [0] : vector<16xf32>, vector<16xi32> -> vector<16xf32>
      %add3A_428 = arith.addf %add3A_422, %gather3A_427 : vector<16xf32>
      %mul3A_429 = arith.constant 1.62760422E-4 : f32
      %mul3A_430 = vector.broadcast %mul3A_429 : f32 to vector<16xf32>
      %mul3A_431 = arith.mulf %add3A_425, %mul3A_430 : vector<16xf32>
      %mul3A_432 = arith.constant 1.62760422E-4 : f32
      %mul3A_433 = vector.broadcast %mul3A_432 : f32 to vector<16xf32>
      %mul3A_434 = arith.mulf %add3A_428, %mul3A_433 : vector<16xf32>
      %mul3A_435 = arith.mulf %mul3A_431, %mul3A_431 : vector<16xf32>
      %sub3A_436 = arith.subf %mul3A_434, %mul3A_435 : vector<16xf32>
      %add3A_437 = arith.constant 9.99999974E-6 : f32
      %add3A_438 = vector.broadcast %add3A_437 : f32 to vector<16xf32>
      %add3A_439 = arith.addf %sub3A_436, %add3A_438 : vector<16xf32>
      %bitcast_convert_type3A_440 = tpu.bitcast %add3A_439 : vector<16xf32> -> vector<16xi32>
      %shift_right_logical3A_441 = arith.constant 1 : i32
      %shift_right_logical3A_442 = vector.broadcast %shift_right_logical3A_441 : i32 to vector<16xi32>
      %shift_right_logical3A_443 = arith.shrui %bitcast_convert_type3A_440, %shift_right_logical3A_442 : vector<16xi32>
      %sub3A_444 = arith.constant 1597463007 : i32
      %sub3A_445 = vector.broadcast %sub3A_444 : i32 to vector<16xi32>
      %sub3A_446 = arith.subi %sub3A_445, %shift_right_logical3A_443 : vector<16xi32>
      %bitcast_convert_type3A_447 = tpu.bitcast %sub3A_446 : vector<16xi32> -> vector<16xf32>
      %mul3A_448 = arith.constant 5.000000e-01 : f32
      %mul3A_449 = vector.broadcast %mul3A_448 : f32 to vector<16xf32>
      %mul3A_450 = arith.mulf %add3A_439, %mul3A_449 : vector<16xf32>
      %mul3A_451 = arith.mulf %mul3A_450, %bitcast_convert_type3A_447 : vector<16xf32>
      %mul3A_452 = arith.mulf %mul3A_451, %bitcast_convert_type3A_447 : vector<16xf32>
      %sub3A_453 = arith.constant 1.500000e+00 : f32
      %sub3A_454 = vector.broadcast %sub3A_453 : f32 to vector<16xf32>
      %sub3A_455 = arith.subf %sub3A_454, %mul3A_452 : vector<16xf32>
      %mul3A_456 = arith.mulf %bitcast_convert_type3A_447, %sub3A_455 : vector<16xf32>
      %mul3A_457 = arith.mulf %mul3A_450, %mul3A_456 : vector<16xf32>
      %mul3A_458 = arith.mulf %mul3A_457, %mul3A_456 : vector<16xf32>
      %sub3A_459 = arith.constant 1.500000e+00 : f32
      %sub3A_460 = vector.broadcast %sub3A_459 : f32 to vector<16xf32>
      %sub3A_461 = arith.subf %sub3A_460, %mul3A_458 : vector<16xf32>
      %mul3A_462 = arith.mulf %mul3A_456, %sub3A_461 : vector<16xf32>
      %neg3A_463 = arith.constant 0.000000e+00 : f32
      %neg3A_464 = vector.broadcast %neg3A_463 : f32 to vector<16xf32>
      %neg3A_465 = arith.subf %neg3A_464, %mul3A_431 : vector<16xf32>
      %mul3A_466 = arith.mulf %neg3A_465, %mul3A_462 : vector<16xf32>
      %gather3A_467 = vector.shape_cast %reshape3A : vector<16x1xi32> to vector<16xi32>
      %gather3A_468 = tpu.dynamic_gather %parallel_loop3A_342#4[%gather3A_467] in [0] : vector<16xf32>, vector<16xi32> -> vector<16xf32>
      %add3A_469 = arith.addf %parallel_loop3A_342#4, %gather3A_468 : vector<16xf32>
      %gather3A_470 = vector.shape_cast %reshape3A : vector<16x1xi32> to vector<16xi32>
      %gather3A_471 = tpu.dynamic_gather %parallel_loop3A_342#5[%gather3A_470] in [0] : vector<16xf32>, vector<16xi32> -> vector<16xf32>
      %add3A_472 = arith.addf %parallel_loop3A_342#5, %gather3A_471 : vector<16xf32>
      %gather3A_473 = vector.shape_cast %reshape3A_10 : vector<16x1xi32> to vector<16xi32>
      %gather3A_474 = tpu.dynamic_gather %add3A_469[%gather3A_473] in [0] : vector<16xf32>, vector<16xi32> -> vector<16xf32>
      %add3A_475 = arith.addf %add3A_469, %gather3A_474 : vector<16xf32>
      %gather3A_476 = vector.shape_cast %reshape3A_10 : vector<16x1xi32> to vector<16xi32>
      %gather3A_477 = tpu.dynamic_gather %add3A_472[%gather3A_476] in [0] : vector<16xf32>, vector<16xi32> -> vector<16xf32>
      %add3A_478 = arith.addf %add3A_472, %gather3A_477 : vector<16xf32>
      %gather3A_479 = vector.shape_cast %reshape3A_14 : vector<16x1xi32> to vector<16xi32>
      %gather3A_480 = tpu.dynamic_gather %add3A_475[%gather3A_479] in [0] : vector<16xf32>, vector<16xi32> -> vector<16xf32>
      %add3A_481 = arith.addf %add3A_475, %gather3A_480 : vector<16xf32>
      %gather3A_482 = vector.shape_cast %reshape3A_14 : vector<16x1xi32> to vector<16xi32>
      %gather3A_483 = tpu.dynamic_gather %add3A_478[%gather3A_482] in [0] : vector<16xf32>, vector<16xi32> -> vector<16xf32>
      %add3A_484 = arith.addf %add3A_478, %gather3A_483 : vector<16xf32>
      %gather3A_485 = vector.shape_cast %reshape3A_18 : vector<16x1xi32> to vector<16xi32>
      %gather3A_486 = tpu.dynamic_gather %add3A_481[%gather3A_485] in [0] : vector<16xf32>, vector<16xi32> -> vector<16xf32>
      %add3A_487 = arith.addf %add3A_481, %gather3A_486 : vector<16xf32>
      %gather3A_488 = vector.shape_cast %reshape3A_18 : vector<16x1xi32> to vector<16xi32>
      %gather3A_489 = tpu.dynamic_gather %add3A_484[%gather3A_488] in [0] : vector<16xf32>, vector<16xi32> -> vector<16xf32>
      %add3A_490 = arith.addf %add3A_484, %gather3A_489 : vector<16xf32>
      %mul3A_491 = arith.constant 1.62760422E-4 : f32
      %mul3A_492 = vector.broadcast %mul3A_491 : f32 to vector<16xf32>
      %mul3A_493 = arith.mulf %add3A_487, %mul3A_492 : vector<16xf32>
      %mul3A_494 = arith.constant 1.62760422E-4 : f32
      %mul3A_495 = vector.broadcast %mul3A_494 : f32 to vector<16xf32>
      %mul3A_496 = arith.mulf %add3A_490, %mul3A_495 : vector<16xf32>
      %mul3A_497 = arith.mulf %mul3A_493, %mul3A_493 : vector<16xf32>
      %sub3A_498 = arith.subf %mul3A_496, %mul3A_497 : vector<16xf32>
      %add3A_499 = arith.constant 9.99999974E-6 : f32
      %add3A_500 = vector.broadcast %add3A_499 : f32 to vector<16xf32>
      %add3A_501 = arith.addf %sub3A_498, %add3A_500 : vector<16xf32>
      %bitcast_convert_type3A_502 = tpu.bitcast %add3A_501 : vector<16xf32> -> vector<16xi32>
      %shift_right_logical3A_503 = arith.constant 1 : i32
      %shift_right_logical3A_504 = vector.broadcast %shift_right_logical3A_503 : i32 to vector<16xi32>
      %shift_right_logical3A_505 = arith.shrui %bitcast_convert_type3A_502, %shift_right_logical3A_504 : vector<16xi32>
      %sub3A_506 = arith.constant 1597463007 : i32
      %sub3A_507 = vector.broadcast %sub3A_506 : i32 to vector<16xi32>
      %sub3A_508 = arith.subi %sub3A_507, %shift_right_logical3A_505 : vector<16xi32>
      %bitcast_convert_type3A_509 = tpu.bitcast %sub3A_508 : vector<16xi32> -> vector<16xf32>
      %mul3A_510 = arith.constant 5.000000e-01 : f32
      %mul3A_511 = vector.broadcast %mul3A_510 : f32 to vector<16xf32>
      %mul3A_512 = arith.mulf %add3A_501, %mul3A_511 : vector<16xf32>
      %mul3A_513 = arith.mulf %mul3A_512, %bitcast_convert_type3A_509 : vector<16xf32>
      %mul3A_514 = arith.mulf %mul3A_513, %bitcast_convert_type3A_509 : vector<16xf32>
      %sub3A_515 = arith.constant 1.500000e+00 : f32
      %sub3A_516 = vector.broadcast %sub3A_515 : f32 to vector<16xf32>
      %sub3A_517 = arith.subf %sub3A_516, %mul3A_514 : vector<16xf32>
      %mul3A_518 = arith.mulf %bitcast_convert_type3A_509, %sub3A_517 : vector<16xf32>
      %mul3A_519 = arith.mulf %mul3A_512, %mul3A_518 : vector<16xf32>
      %mul3A_520 = arith.mulf %mul3A_519, %mul3A_518 : vector<16xf32>
      %sub3A_521 = arith.constant 1.500000e+00 : f32
      %sub3A_522 = vector.broadcast %sub3A_521 : f32 to vector<16xf32>
      %sub3A_523 = arith.subf %sub3A_522, %mul3A_520 : vector<16xf32>
      %mul3A_524 = arith.mulf %mul3A_518, %sub3A_523 : vector<16xf32>
      %neg3A_525 = arith.constant 0.000000e+00 : f32
      %neg3A_526 = vector.broadcast %neg3A_525 : f32 to vector<16xf32>
      %neg3A_527 = arith.subf %neg3A_526, %mul3A_493 : vector<16xf32>
      %mul3A_528 = arith.mulf %neg3A_527, %mul3A_524 : vector<16xf32>
      %gather3A_529 = vector.shape_cast %reshape3A : vector<16x1xi32> to vector<16xi32>
      %gather3A_530 = tpu.dynamic_gather %parallel_loop3A_342#6[%gather3A_529] in [0] : vector<16xf32>, vector<16xi32> -> vector<16xf32>
      %add3A_531 = arith.addf %parallel_loop3A_342#6, %gather3A_530 : vector<16xf32>
      %gather3A_532 = vector.shape_cast %reshape3A : vector<16x1xi32> to vector<16xi32>
      %gather3A_533 = tpu.dynamic_gather %parallel_loop3A_342#7[%gather3A_532] in [0] : vector<16xf32>, vector<16xi32> -> vector<16xf32>
      %add3A_534 = arith.addf %parallel_loop3A_342#7, %gather3A_533 : vector<16xf32>
      %gather3A_535 = vector.shape_cast %reshape3A_10 : vector<16x1xi32> to vector<16xi32>
      %gather3A_536 = tpu.dynamic_gather %add3A_531[%gather3A_535] in [0] : vector<16xf32>, vector<16xi32> -> vector<16xf32>
      %add3A_537 = arith.addf %add3A_531, %gather3A_536 : vector<16xf32>
      %gather3A_538 = vector.shape_cast %reshape3A_10 : vector<16x1xi32> to vector<16xi32>
      %gather3A_539 = tpu.dynamic_gather %add3A_534[%gather3A_538] in [0] : vector<16xf32>, vector<16xi32> -> vector<16xf32>
      %add3A_540 = arith.addf %add3A_534, %gather3A_539 : vector<16xf32>
      %gather3A_541 = vector.shape_cast %reshape3A_14 : vector<16x1xi32> to vector<16xi32>
      %gather3A_542 = tpu.dynamic_gather %add3A_537[%gather3A_541] in [0] : vector<16xf32>, vector<16xi32> -> vector<16xf32>
      %add3A_543 = arith.addf %add3A_537, %gather3A_542 : vector<16xf32>
      %gather3A_544 = vector.shape_cast %reshape3A_14 : vector<16x1xi32> to vector<16xi32>
      %gather3A_545 = tpu.dynamic_gather %add3A_540[%gather3A_544] in [0] : vector<16xf32>, vector<16xi32> -> vector<16xf32>
      %add3A_546 = arith.addf %add3A_540, %gather3A_545 : vector<16xf32>
      %gather3A_547 = vector.shape_cast %reshape3A_18 : vector<16x1xi32> to vector<16xi32>
      %gather3A_548 = tpu.dynamic_gather %add3A_543[%gather3A_547] in [0] : vector<16xf32>, vector<16xi32> -> vector<16xf32>
      %add3A_549 = arith.addf %add3A_543, %gather3A_548 : vector<16xf32>
      %gather3A_550 = vector.shape_cast %reshape3A_18 : vector<16x1xi32> to vector<16xi32>
      %gather3A_551 = tpu.dynamic_gather %add3A_546[%gather3A_550] in [0] : vector<16xf32>, vector<16xi32> -> vector<16xf32>
      %add3A_552 = arith.addf %add3A_546, %gather3A_551 : vector<16xf32>
      %mul3A_553 = arith.constant 1.62760422E-4 : f32
      %mul3A_554 = vector.broadcast %mul3A_553 : f32 to vector<16xf32>
      %mul3A_555 = arith.mulf %add3A_549, %mul3A_554 : vector<16xf32>
      %mul3A_556 = arith.constant 1.62760422E-4 : f32
      %mul3A_557 = vector.broadcast %mul3A_556 : f32 to vector<16xf32>
      %mul3A_558 = arith.mulf %add3A_552, %mul3A_557 : vector<16xf32>
      %mul3A_559 = arith.mulf %mul3A_555, %mul3A_555 : vector<16xf32>
      %sub3A_560 = arith.subf %mul3A_558, %mul3A_559 : vector<16xf32>
      %add3A_561 = arith.constant 9.99999974E-6 : f32
      %add3A_562 = vector.broadcast %add3A_561 : f32 to vector<16xf32>
      %add3A_563 = arith.addf %sub3A_560, %add3A_562 : vector<16xf32>
      %bitcast_convert_type3A_564 = tpu.bitcast %add3A_563 : vector<16xf32> -> vector<16xi32>
      %shift_right_logical3A_565 = arith.constant 1 : i32
      %shift_right_logical3A_566 = vector.broadcast %shift_right_logical3A_565 : i32 to vector<16xi32>
      %shift_right_logical3A_567 = arith.shrui %bitcast_convert_type3A_564, %shift_right_logical3A_566 : vector<16xi32>
      %sub3A_568 = arith.constant 1597463007 : i32
      %sub3A_569 = vector.broadcast %sub3A_568 : i32 to vector<16xi32>
      %sub3A_570 = arith.subi %sub3A_569, %shift_right_logical3A_567 : vector<16xi32>
      %bitcast_convert_type3A_571 = tpu.bitcast %sub3A_570 : vector<16xi32> -> vector<16xf32>
      %mul3A_572 = arith.constant 5.000000e-01 : f32
      %mul3A_573 = vector.broadcast %mul3A_572 : f32 to vector<16xf32>
      %mul3A_574 = arith.mulf %add3A_563, %mul3A_573 : vector<16xf32>
      %mul3A_575 = arith.mulf %mul3A_574, %bitcast_convert_type3A_571 : vector<16xf32>
      %mul3A_576 = arith.mulf %mul3A_575, %bitcast_convert_type3A_571 : vector<16xf32>
      %sub3A_577 = arith.constant 1.500000e+00 : f32
      %sub3A_578 = vector.broadcast %sub3A_577 : f32 to vector<16xf32>
      %sub3A_579 = arith.subf %sub3A_578, %mul3A_576 : vector<16xf32>
      %mul3A_580 = arith.mulf %bitcast_convert_type3A_571, %sub3A_579 : vector<16xf32>
      %mul3A_581 = arith.mulf %mul3A_574, %mul3A_580 : vector<16xf32>
      %mul3A_582 = arith.mulf %mul3A_581, %mul3A_580 : vector<16xf32>
      %sub3A_583 = arith.constant 1.500000e+00 : f32
      %sub3A_584 = vector.broadcast %sub3A_583 : f32 to vector<16xf32>
      %sub3A_585 = arith.subf %sub3A_584, %mul3A_582 : vector<16xf32>
      %mul3A_586 = arith.mulf %mul3A_580, %sub3A_585 : vector<16xf32>
      %neg3A_587 = arith.constant 0.000000e+00 : f32
      %neg3A_588 = vector.broadcast %neg3A_587 : f32 to vector<16xf32>
      %neg3A_589 = arith.subf %neg3A_588, %mul3A_555 : vector<16xf32>
      %mul3A_590 = arith.mulf %neg3A_589, %mul3A_586 : vector<16xf32>
      %parallel_loop3A_591 = arith.constant 0 : i32
      %parallel_loop3A_592 = arith.constant 384 : i32
      %parallel_loop3A_593 = arith.constant 1 : i32
      scf.for %parallel_loop3A_604 = %parallel_loop3A_591 to %parallel_loop3A_592 step %parallel_loop3A_593  : i32 {
        %parallel_loop3A_605 = arith.constant 16 : i32
        %parallel_loop3A_606 = arith.muli %parallel_loop3A_604, %parallel_loop3A_605 : i32
        %parallel_loop3A_607 = arith.index_cast %parallel_loop3A_606 : i32 to index
        %parallel_loop3A_608 = tpu.vector_load %arg12[%parallel_loop3A_607] {strides = array<i32>} : memref<6144xf32, #tpu.memory_space<vmem>>, vector<16xf32>,
        %parallel_loop3A_609 = vector.shape_cast %parallel_loop3A_608 : vector<16xf32> to vector<16xf32>
        %parallel_loop3A_610 = arith.index_cast %parallel_loop3A_606 : i32 to index
        %parallel_loop3A_611 = tpu.vector_load %arg13[%parallel_loop3A_610] {strides = array<i32>} : memref<6144xf32, #tpu.memory_space<vmem>>, vector<16xf32>,
        %parallel_loop3A_612 = vector.shape_cast %parallel_loop3A_611 : vector<16xf32> to vector<16xf32>
        %parallel_loop3A_613 = arith.constant 0 : i32
        %parallel_loop3A_614 = arith.index_cast %parallel_loop3A_613 : i32 to index
        %parallel_loop3A_615 = arith.index_cast %parallel_loop3A_606 : i32 to index
        %parallel_loop3A_616 = tpu.vector_load %arg9[%parallel_loop3A_614, %parallel_loop3A_615] {strides = array<i32>} : memref<4x6144xf32, #tpu.memory_space<vmem>>, vector<1x16xf32>,
        %parallel_loop3A_617 = vector.shape_cast %parallel_loop3A_616 : vector<1x16xf32> to vector<16xf32>
        %parallel_loop3A_618 = arith.mulf %parallel_loop3A_617, %mul3A_400 : vector<16xf32>
        %parallel_loop3A_619 = arith.addf %parallel_loop3A_618, %mul3A_404 : vector<16xf32>
        %parallel_loop3A_620 = arith.mulf %parallel_loop3A_619, %parallel_loop3A_609 : vector<16xf32>
        %parallel_loop3A_621 = arith.addf %parallel_loop3A_620, %parallel_loop3A_612 : vector<16xf32>
        %parallel_loop3A_622 = arith.constant 0 : i32
        %parallel_loop3A_623 = arith.index_cast %parallel_loop3A_622 : i32 to index
        %parallel_loop3A_624 = arith.index_cast %parallel_loop3A_606 : i32 to index
        %parallel_loop3A_625 = tpu.vector_load %arg11[%parallel_loop3A_623, %parallel_loop3A_624] {strides = array<i32>} : memref<4x6144xf32, #tpu.memory_space<vmem>>, vector<1x16xf32>,
        %parallel_loop3A_626 = vector.shape_cast %parallel_loop3A_625 : vector<1x16xf32> to vector<16xf32>
        %parallel_loop3A_627 = vector.shape_cast %parallel_loop3A_621 : vector<16xf32> to vector<1x16xf32>
        tpu.vector_store %arg11[%parallel_loop3A_623, %parallel_loop3A_624], %parallel_loop3A_627 {strides = array<i32>} : memref<4x6144xf32, #tpu.memory_space<vmem>>, vector<1x16xf32>,
        %parallel_loop3A_628 = arith.constant 1 : i32
        %parallel_loop3A_629 = arith.index_cast %parallel_loop3A_628 : i32 to index
        %parallel_loop3A_630 = arith.index_cast %parallel_loop3A_606 : i32 to index
        %parallel_loop3A_631 = tpu.vector_load %arg9[%parallel_loop3A_629, %parallel_loop3A_630] {strides = array<i32>} : memref<4x6144xf32, #tpu.memory_space<vmem>>, vector<1x16xf32>,
        %parallel_loop3A_632 = vector.shape_cast %parallel_loop3A_631 : vector<1x16xf32> to vector<16xf32>
        %parallel_loop3A_633 = arith.mulf %parallel_loop3A_632, %mul3A_462 : vector<16xf32>
        %parallel_loop3A_634 = arith.addf %parallel_loop3A_633, %mul3A_466 : vector<16xf32>
        %parallel_loop3A_635 = arith.mulf %parallel_loop3A_634, %parallel_loop3A_609 : vector<16xf32>
        %parallel_loop3A_636 = arith.addf %parallel_loop3A_635, %parallel_loop3A_612 : vector<16xf32>
        %parallel_loop3A_637 = arith.constant 1 : i32
        %parallel_loop3A_638 = arith.index_cast %parallel_loop3A_637 : i32 to index
        %parallel_loop3A_639 = arith.index_cast %parallel_loop3A_606 : i32 to index
        %parallel_loop3A_640 = tpu.vector_load %arg11[%parallel_loop3A_638, %parallel_loop3A_639] {strides = array<i32>} : memref<4x6144xf32, #tpu.memory_space<vmem>>, vector<1x16xf32>,
        %parallel_loop3A_641 = vector.shape_cast %parallel_loop3A_640 : vector<1x16xf32> to vector<16xf32>
        %parallel_loop3A_642 = vector.shape_cast %parallel_loop3A_636 : vector<16xf32> to vector<1x16xf32>
        tpu.vector_store %arg11[%parallel_loop3A_638, %parallel_loop3A_639], %parallel_loop3A_642 {strides = array<i32>} : memref<4x6144xf32, #tpu.memory_space<vmem>>, vector<1x16xf32>,
        %parallel_loop3A_643 = arith.constant 2 : i32
        %parallel_loop3A_644 = arith.index_cast %parallel_loop3A_643 : i32 to index
        %parallel_loop3A_645 = arith.index_cast %parallel_loop3A_606 : i32 to index
        %parallel_loop3A_646 = tpu.vector_load %arg9[%parallel_loop3A_644, %parallel_loop3A_645] {strides = array<i32>} : memref<4x6144xf32, #tpu.memory_space<vmem>>, vector<1x16xf32>,
        %parallel_loop3A_647 = vector.shape_cast %parallel_loop3A_646 : vector<1x16xf32> to vector<16xf32>
        %parallel_loop3A_648 = arith.mulf %parallel_loop3A_647, %mul3A_524 : vector<16xf32>
        %parallel_loop3A_649 = arith.addf %parallel_loop3A_648, %mul3A_528 : vector<16xf32>
        %parallel_loop3A_650 = arith.mulf %parallel_loop3A_649, %parallel_loop3A_609 : vector<16xf32>
        %parallel_loop3A_651 = arith.addf %parallel_loop3A_650, %parallel_loop3A_612 : vector<16xf32>
        %parallel_loop3A_652 = arith.constant 2 : i32
        %parallel_loop3A_653 = arith.index_cast %parallel_loop3A_652 : i32 to index
        %parallel_loop3A_654 = arith.index_cast %parallel_loop3A_606 : i32 to index
        %parallel_loop3A_655 = tpu.vector_load %arg11[%parallel_loop3A_653, %parallel_loop3A_654] {strides = array<i32>} : memref<4x6144xf32, #tpu.memory_space<vmem>>, vector<1x16xf32>,
        %parallel_loop3A_656 = vector.shape_cast %parallel_loop3A_655 : vector<1x16xf32> to vector<16xf32>
        %parallel_loop3A_657 = vector.shape_cast %parallel_loop3A_651 : vector<16xf32> to vector<1x16xf32>
        tpu.vector_store %arg11[%parallel_loop3A_653, %parallel_loop3A_654], %parallel_loop3A_657 {strides = array<i32>} : memref<4x6144xf32, #tpu.memory_space<vmem>>, vector<1x16xf32>,
        %parallel_loop3A_658 = arith.constant 3 : i32
        %parallel_loop3A_659 = arith.index_cast %parallel_loop3A_658 : i32 to index
        %parallel_loop3A_660 = arith.index_cast %parallel_loop3A_606 : i32 to index
        %parallel_loop3A_661 = tpu.vector_load %arg9[%parallel_loop3A_659, %parallel_loop3A_660] {strides = array<i32>} : memref<4x6144xf32, #tpu.memory_space<vmem>>, vector<1x16xf32>,
        %parallel_loop3A_662 = vector.shape_cast %parallel_loop3A_661 : vector<1x16xf32> to vector<16xf32>
        %parallel_loop3A_663 = arith.mulf %parallel_loop3A_662, %mul3A_586 : vector<16xf32>
        %parallel_loop3A_664 = arith.addf %parallel_loop3A_663, %mul3A_590 : vector<16xf32>
        %parallel_loop3A_665 = arith.mulf %parallel_loop3A_664, %parallel_loop3A_609 : vector<16xf32>
        %parallel_loop3A_666 = arith.addf %parallel_loop3A_665, %parallel_loop3A_612 : vector<16xf32>
        %parallel_loop3A_667 = arith.constant 3 : i32
        %parallel_loop3A_668 = arith.index_cast %parallel_loop3A_667 : i32 to index
        %parallel_loop3A_669 = arith.index_cast %parallel_loop3A_606 : i32 to index
        %parallel_loop3A_670 = tpu.vector_load %arg11[%parallel_loop3A_668, %parallel_loop3A_669] {strides = array<i32>} : memref<4x6144xf32, #tpu.memory_space<vmem>>, vector<1x16xf32>,
        %parallel_loop3A_671 = vector.shape_cast %parallel_loop3A_670 : vector<1x16xf32> to vector<16xf32>
        %parallel_loop3A_672 = vector.shape_cast %parallel_loop3A_666 : vector<16xf32> to vector<1x16xf32>
        tpu.vector_store %arg11[%parallel_loop3A_668, %parallel_loop3A_669], %parallel_loop3A_672 {strides = array<i32>} : memref<4x6144xf32, #tpu.memory_space<vmem>>, vector<1x16xf32>,
      } {sc.loop_unroll_factor = 6 : i64, sc.parallel_access}
      %barrier3A_594 = arith.constant 0 : index
      tpu.barrier barrier_id(%barrier3A_594)
      %lt3A_595 = arith.constant 31 : i32
      %lt3A_596 = arith.cmpi slt, %scan3A_44, %lt3A_595 : i32
      %convert_element_type3A_597 = arith.extui %lt3A_596 : i1 to i32
      %cond3A_598 = arith.constant 0 : i32
      %cond3A_599 = arith.cmpi ne, %convert_element_type3A_597, %cond3A_598 : i32
      scf.if %cond3A_599 {
        %add3A_604 = arith.constant 2 : i32
        %add3A_605 = arith.addi %add3A_322, %add3A_604 : i32
        %dma_start3A_606 = arith.constant 0 : i32
        %dma_start3A_607 = tpu.memref_slice %arg7[%add3A_605, %dma_start3A_606] : memref<64x4xi32, #tpu.memory_space<vmem>> -> memref<1x4xi32, #tpu.memory_space<vmem>>
        %dma_start3A_608 = tpu.memref_squeeze %dma_start3A_607 : memref<1x4xi32, #tpu.memory_space<vmem>> -> memref<4xi32, #tpu.memory_space<vmem>>
        %dma_start3A_609 = arith.constant 0 : i32
        %dma_start3A_610 = arith.constant 0 : i32
        %dma_start3A_611 = tpu.memref_slice %arg3[%dma_start3A_609, %dma_start3A_610] : memref<50432x6144xf32, #tpu.memory_space<hbm>> -> memref<50432x6144xf32, #tpu.memory_space<hbm>>
        tpu.enqueue_indirect_dma source(%dma_start3A_611 : memref<50432x6144xf32, #tpu.memory_space<hbm>>) target(%arg9 : memref<4x6144xf32, #tpu.memory_space<vmem>>) offsets(%dma_start3A_608 : memref<4xi32, #tpu.memory_space<vmem>>) semaphore(%arg15 : memref<!tpu.dma_semaphore, #tpu.memory_space<semaphore_mem>>)
      } else {
      }
      %dma_start3A_600 = arith.constant 0 : i32
      %dma_start3A_601 = tpu.memref_slice %arg6[%add3A_325, %dma_start3A_600] : memref<8192x6144xf32, #tpu.memory_space<hbm>> -> memref<4x6144xf32, #tpu.memory_space<hbm>>
      %dma_start3A_602 = arith.constant 0 : i32
      %dma_start3A_603 = tpu.memref_slice %arg6[%add3A_325, %dma_start3A_602] : memref<8192x6144xf32, #tpu.memory_space<hbm>> -> memref<4x6144xf32, #tpu.memory_space<hbm>>
      tpu.enqueue_dma source(%arg11 : memref<4x6144xf32, #tpu.memory_space<vmem>>) target(%dma_start3A_603 : memref<4x6144xf32, #tpu.memory_space<hbm>>) target_semaphore(%arg17 : memref<!tpu.dma_semaphore, #tpu.memory_space<semaphore_mem>>)
    }
    %scan3A_36 = arith.constant 32 : i32
    %dma_wait3A = arith.constant 0 : i32
    %dma_wait3A_37 = tpu.memref_slice %arg6[%mul3A_2, %dma_wait3A] : memref<8192x6144xf32, #tpu.memory_space<hbm>> -> memref<4x6144xf32, #tpu.memory_space<hbm>>
    %dma_wait3A_38 = arith.constant 0 : i32
    %dma_wait3A_39 = tpu.memref_slice %arg6[%mul3A_2, %dma_wait3A_38] : memref<8192x6144xf32, #tpu.memory_space<hbm>> -> memref<4x6144xf32, #tpu.memory_space<hbm>>
    tpu.wait_dma2 semaphore(%arg16 : memref<!tpu.dma_semaphore, #tpu.memory_space<semaphore_mem>>) src(%arg10 : memref<4x6144xf32, #tpu.memory_space<vmem>>) dst(%dma_wait3A_39 : memref<4x6144xf32, #tpu.memory_space<hbm>>)
    %dma_wait3A_40 = arith.constant 0 : i32
    %dma_wait3A_41 = tpu.memref_slice %arg6[%mul3A_2, %dma_wait3A_40] : memref<8192x6144xf32, #tpu.memory_space<hbm>> -> memref<4x6144xf32, #tpu.memory_space<hbm>>
    %dma_wait3A_42 = arith.constant 0 : i32
    %dma_wait3A_43 = tpu.memref_slice %arg6[%mul3A_2, %dma_wait3A_42] : memref<8192x6144xf32, #tpu.memory_space<hbm>> -> memref<4x6144xf32, #tpu.memory_space<hbm>>
    tpu.wait_dma2 semaphore(%arg17 : memref<!tpu.dma_semaphore, #tpu.memory_space<semaphore_mem>>) src(%arg11 : memref<4x6144xf32, #tpu.memory_space<vmem>>) dst(%dma_wait3A_43 : memref<4x6144xf32, #tpu.memory_space<hbm>>)
    return
  }
}

</mosaic_0001>

<sc_bundles>
// kernel: _sc_embed_ln.3.cloned.1.call-start
scs
__scs_entry_jumppad:
0x0: {  	(pc) =	sbr.rel $0x88, $3  }
0x1: {  	(tag) =	ssettag $0x0;
	lr =	simm.s32 $0x1  }
0x2: {  	[smem:$0x3F9D] =	sst lr;
	_ =	strace $0xD0000000  }
0x3: {  	_ = 	snop  }
0x4: {  	_ = 	snop  }
0x5: {  	_ = 	snop  }
0x6: {  	_ = 	snop  }
0x7: {  	_ = 	snop  }
__scs_overlays_trampoline_lowered:
0x8: {  	[smem:$0x3FAC] =	sst s0  }
0x9: {  	[smem:$0x3FAD] =	sst s1  }
0xa: {  	[smem:$0x3FAE] =	sst s2  }
0xb: {  	[smem:$0x3FAF] =	sst s3  }
0xc: {  	[smem:$0x3FB0] =	sst s4  }
0xd: {  	[smem:$0x3FB1] =	sst s5  }
0xe: {  	[smem:$0x3FB2] =	sst s6  }
0xf: {  	[smem:$0x3FB3] =	sst s7  }
0x10: {  	[smem:$0x3FB4] =	sst s8  }
0x11: {  	[smem:$0x3FB5] =	sst s9;
	s0 =	simm.s32 @!p0 $0x0  }
0x12: {  	s1 =	sld [smem:$0x3F9B];
	s0 =	simm.s32 @p0 $0x1  }
0x13: {  	[smem:$0x3FB6] =	sst s0;
	s0 =	simm.s32 @!p1 $0x0  }
0x14: {  	s2 =	sld [smem:$0x3F9A];
	s0 =	simm.s32 @p1 $0x1  }
0x15: {  	[smem:$0x3FB7] =	sst s0;
	s0 =	simm.s32 @!p2 $0x0  }
0x16: {  	s3 =	sld [smem:$0x3FDB];
	s0 =	simm.s32 @p2 $0x1  }
0x17: {  	s4 =	simm.s32 $0x1BF5;
	[smem:$0x3FB9] =	sst s0  }
0x18: {  	s0 =	sld [smem:$0x3F9C];
	_ =	swait.ge [sflag:s4], $0x0  }
0x19: {  	s7 =	sld [smem:$0x3F9D]  }
0x1a: {  	s8 =	sadd.s32 $0xFFFFE003, lr  }
0x1b: {  	s9 =	sadd.s32 $0xFFFFFEF7, lr;
	s5 =	simm.s32 $0xFFFFFFFF;
	p2 =	slt.u32 s8, $0xFFFFF086  }
0x1c: {  	p1 =	slt.u32 s9, $0xF7A;
	s5 =	simm.s32 @!p2 $0x0  }
0x1d: {  	s5 =	simm.s32 @p1 $0x1;
	p0 =	seq.s32 s7, s2  }
0x1e: {  	s7 =	smul.u32 @!p0 $0xF7A, s2;
	p2 =	seq.s32 @!p0 s5, $0x0  }
0x1f: {  	s9 =	smul.u32 $0xF7A, s1;
	s8 =	simm.s32 @!p0 $0x1BF5;
	p2 =	por !p2, p0  }
0x20: {  	[sflag:s8] =	ssyncset.s32 @!p0 $0xFFFFF086;
	s6 =	sadd.s32 @!p0 s3, s7;
	s7 =	simm.s32 @!p0 $0x108  }
0x21: {  	s3 =	sadd.s32 s3, s9;
	s6 =	sadd.s32 @!p0 $0x88, s6;
	s7 =	simm.s32 @p2 $0x1082  }
0x22: {  	[simem:s7], [sflag:s8] =	dma.local @!p0 [hbm:s6], $0xF7A  }
0x23: {  	s9 =	sor.u32 $0xD0000000, s2;
	s6 =	simm.s32 $0x108;
	_ =	swait.ge @!p0 [sflag:s8], $0x0  }
0x24: {  	s3 =	sadd.s32 $0x88, s3;
	s6 =	simm.s32 @!p1 $0x1082;
	[sflag:s4] =	ssyncset.s32 $0xFFFFF086  }
0x25: {  	[simem:s6], [sflag:s4] =	dma.local [hbm:s3], $0xF7A  }
0x26: {  	[smem:$0x3F9D] =	sst s1;
	(tag) =	ssettag s2;
	_ =	strace s9  }
0x27: {  	s1 =	sld [smem:$0x3FAD]  }
0x28: {  	s2 =	sld [smem:$0x3FAE]  }
0x29: {  	s4 =	sld [smem:$0x3FB0]  }
0x2a: {  	p0 =	seq.s32 s5, $0x0;
	s5 =	sld [smem:$0x3FB1]  }
0x2b: {  	s6 =	sld [smem:$0x3FB2]  }
0x2c: {  	s7 =	sld [smem:$0x3FB3]  }
0x2d: {  	s3 =	simm.s32 $0x108;
	s8 =	sld [smem:$0x3FB4]  }
0x2e: {  	s3 =	simm.s32 @!p0 $0x1082;
	s9 =	sld [smem:$0x3FB5]  }
0x2f: {  	lr =	sadd.s32 s0, s3;
	s0 =	sld [smem:$0x3FAC]  }
0x30: {  	s3 =	sld [smem:$0x3FAF]  }
0x31: {  	[smem:$0x3FB8] =	sst s10  }
0x32: {  	s10 =	sld [smem:$0x3FB6];
	_ =	sdelay $0x3  }
0x33: {  	p0 =	seq.s32 s10, $0x1;
	s10 =	sld [smem:$0x3FB8];
	_ =	sdelay $0x3  }
0x34: {  	[smem:$0x3FB8] =	sst s10  }
0x35: {  	s10 =	sld [smem:$0x3FB7];
	_ =	sdelay $0x3  }
0x36: {  	p1 =	seq.s32 s10, $0x1;
	s10 =	sld [smem:$0x3FB8];
	_ =	sdelay $0x3  }
0x37: {  	[smem:$0x3FB8] =	sst s10  }
0x38: {  	s10 =	sld [smem:$0x3FB9]  }
0x39: {  	_ = 	snop;
	(pc) =	sbr.ind lr, $3  }
0x3a: {  	_ = 	snop  }
0x3b: {  	_ = 	snop  }
0x3c: {  	p2 =	seq.s32 s10, $0x1;
	s10 =	sld [smem:$0x3FB8]  }
0x3d: {  	_ =	shalt  }
0x3e: {  	_ =	shalt  }
0x3f: {  	_ =	shalt  }
0x40: {  	_ =	shalt  }
0x41: {  	_ =	shalt  }
0x42: {  	_ =	shalt  }
0x43: {  	_ =	shalt  }
0x44: {  	_ =	shalt  }
0x45: {  	_ =	shalt  }
0x46: {  	_ =	shalt  }
0x47: {  	_ =	shalt  }
0x48: {  	_ =	shalt  }
0x49: {  	_ =	shalt  }
0x4a: {  	_ =	shalt  }
0x4b: {  	_ =	shalt  }
0x4c: {  	_ =	shalt  }
0x4d: {  	_ =	shalt  }
0x4e: {  	_ =	shalt  }
0x4f: {  	_ =	shalt  }
0x50: {  	_ =	shalt  }
0x51: {  	_ =	shalt  }
0x52: {  	_ =	shalt  }
0x53: {  	_ =	shalt  }
0x54: {  	_ =	shalt  }
0x55: {  	_ =	shalt  }
0x56: {  	_ =	shalt  }
0x57: {  	_ =	shalt  }
0x58: {  	_ =	shalt  }
0x59: {  	_ =	shalt  }
0x5a: {  	_ =	shalt  }
0x5b: {  	_ =	shalt  }
0x5c: {  	_ =	shalt  }
0x5d: {  	_ =	shalt  }
0x5e: {  	_ =	shalt  }
0x5f: {  	_ =	shalt  }
0x60: {  	_ =	shalt  }
0x61: {  	_ =	shalt  }
0x62: {  	_ =	shalt  }
0x63: {  	_ =	shalt  }
0x64: {  	_ =	shalt  }
0x65: {  	_ =	shalt  }
0x66: {  	_ =	shalt  }
0x67: {  	_ =	shalt  }
0x68: {  	_ =	shalt  }
0x69: {  	_ =	shalt  }
0x6a: {  	_ =	shalt  }
0x6b: {  	_ =	shalt  }
0x6c: {  	_ =	shalt  }
0x6d: {  	_ =	shalt  }
0x6e: {  	_ =	shalt  }
0x6f: {  	_ =	shalt  }
0x70: {  	_ =	shalt  }
0x71: {  	_ =	shalt  }
0x72: {  	_ =	shalt  }
0x73: {  	_ =	shalt  }
0x74: {  	_ =	shalt  }
0x75: {  	_ =	shalt  }
0x76: {  	_ =	shalt  }
0x77: {  	_ =	shalt  }
0x78: {  	_ =	shalt  }
0x79: {  	_ =	shalt  }
0x7a: {  	_ =	shalt  }
0x7b: {  	_ =	shalt  }
0x7c: {  	_ =	shalt  }
0x7d: {  	_ =	shalt  }
0x7e: {  	_ =	shalt  }
0x7f: {  	_ =	shalt  }
0x80: {  	_ =	shalt  }
0x81: {  	_ =	shalt  }
0x82: {  	_ =	shalt  }
0x83: {  	_ =	shalt  }
0x84: {  	_ =	shalt  }
0x85: {  	_ =	shalt  }
0x86: {  	_ =	shalt  }
0x87: {  	_ =	shalt  }
.Lfunc_end0:
.L_simem_size_0:
called_computation_lowered:
.L_overlay_start_0:
0x88: {  	s2 =	sld [smem:$0x3FD9]  }
0x89: {  	s3 =	sld [smem:$0x3FFE];
	_ =	sdelay $0x1  }
0x8a: {  	s1 =	srdreg.scid  }
0x8b: {  	s0 =	sand.u32 $0x1, s1  }
0x8c: {  	s17 =	sshll.u32 s0, $0xA;
	s2 =	sadd.s32 s3, s2  }
0x8d: {  	s2 =	sadd.s32 s2, s17  }
0x8e: {  	[smem:$0x3FC4] =	sst s2  }
0x8f: {  	_ = 	snop  }
0x90: {  	s2 =	sld [smem:$0x3FC8]  }
0x91: {  	s18 =	sld [smem:$0x3FC7]  }
0x92: {  	s4 =	sld [smem:$0x3FC6]  }
0x93: {  	s5 =	sld [smem:$0x3FD0];
	(tm) =	ssettm $0x1  }
0x94: {  	s6 =	sld [smem:$0x3FFB];
	_ =	sdelay $0x3  }
0x95: {  	_ =	strace s6  }
0x96: {  	s6 =	sld [smem:$0x3FFC];
	_ =	sdelay $0x3  }
0x97: {  	_ =	strace s6  }
0x98: {  	s6 =	sld [smem:$0x3FFD];
	_ =	sdelay $0x3  }
0x99: {  	_ =	strace s6  }
0x9a: {  	_ =	strace $0x8FFFFFFF  }
0x9b: {  	s19 =	sld [smem:$0x3FDB];
	_ =	sdelay $0x1  }
0x9c: {  	s7 =	simm.s32 $_scs_section_size  }
0x9d: {  	s8 =	simm.s32 $_size__tile_overlayer_lowered;
	s9 =	simm.s32 $_tile_overlayer_lowered  }
0x9e: {  	s22 =	simm.s32 $0x1BFF;
	s21 =	sshll.u32 s9, $0x1;
	s6 =	sadd.s32 s7, s19  }
0x9f: {  	s10 =	simm.s32 $0x0;
	s20 =	sshll.u32 s8, $0x1;
	s8 =	sadd.s32 s21, s6  }
0xa0: {  	[timem:s10], [sflag:s22] =	dma.local [hbm:s8], s20  }
0xa1: {  	_ =	swait.ge [sflag:s22], s20  }
0xa2: {  	s7 =	ssub.s32 $0x0, s20;
	[sflag:s22] =	ssyncset.done $0x0  }
0xa3: {  	[sflag:s22] =	ssyncadd.s32 s7;
	_ =	sdelay $0x1  }
0xa4: {  	s23 =	simm.s32 $0x1B8B  }
0xa5: {  	_ =	swait.ge [sflag:s23], $0x1  }
0xa6: {  	[sflag:s23] =	ssyncset.done $0x0  }
0xa7: {  	s25 =	simm.s32 $0x1B8E;
	s24 =	sld [smem:$0x3FFE];
	[sflag:s23] =	ssyncadd.s32 $0xFFFFFFFF  }
0xa8: {  	s26 =	simm.s32 $execute0_lowered;
	[smem:$0x3FD2] =	sst s25  }
0xa9: {  	s8 =	sshll.u32 s26, $0x1;
	_ =	strace $0x80000046;
	[dreg:$0x1] =	wrdreg $0xFFFFFFFF  }
0xaa: {  	s28 =	simm.s32 $_size_execute0_lowered;
	s6 =	sadd.s32 s6, s8;
	[dreg:$0x0] =	wrdreg $0x0  }
0xab: {  	s8 =	sshll.u32 s28, $0x1;
	[dreg:$0x2] =	wrdreg s6  }
0xac: {  	[dreg:$0x3] =	wrdreg s8  }
0xad: {  	[dreg:$0x4] =	wrdreg $0xC0  }
0xae: {  	_ =	task [dreg:s10], $0x5FFFF  }
0xaf: {  	[dreg:$0x1] =	wrdreg $0xFFFFFFFF  }
0xb0: {  	[dreg:$0x0] =	wrdreg $0x60  }
0xb1: {  	[dreg:$0x2] =	wrdreg s24  }
0xb2: {  	[dreg:$0x3] =	wrdreg s2  }
0xb3: {  	[dreg:$0x4] =	wrdreg s18  }
0xb4: {  	[dreg:$0x5] =	wrdreg s4  }
0xb5: {  	[dreg:$0x6] =	wrdreg s5  }
0xb6: {  	[dreg:$0x7] =	wrdreg $0x9  }
0xb7: {  	_ =	task.clear_ibuf [dreg:s10], $0x8FFFF;
	_ =	strace $0x90000046  }
0xb8: {  	s29 =	simm.s32 $0x9;
	_ =	strace $0x80000048  }
0xb9: {  	_ =	swait.ge [sflag:s29], $0x1  }
0xba: {  	[sflag:s29] =	ssyncadd.s32 $0xFFFFFFFF  }
0xbb: {  	_ =	strace $0x90000048  }
0xbc: {  	_ =	sfence  }
0xbd: {  	s30 =	sld [smem:$0x0];
	_ =	sdelay $0x2  }
0xbe: {  	s31 =	sshll.u32 s1, $0xD;
	s1 =	sshrl.u32 s1, $0x2  }
0xbf: {  	s3 =	sand.u32 $0x4000, s31;
	s1 =	sadd.s32 s1, s30  }
0xc0: {  	s0 =	sor.u32 s3, s0;
	s1 =	sshll.u32 s1, $0x11  }
0xc1: {  	s0 =	sor.u32 s1, s0  }
0xc2: {  	s0 =	sadd.s32 $0x8F2B, s0  }
0xc3: {  	[sflag:s0] =	ssyncadd.remote.s32 $0x1  }
0xc4: {  	_ =	sfence.sel $0xFFFF  }
0xc5: {  	[dreg:$0x0] =	wrdreg $0xFFFFFFFF;
	(pc) =	sbr.abs _section_cstart, $3  }
0xc6: {  	[dreg:$0x1] =	wrdreg $0xFFFFFFFF  }
0xc7: {  	_ =	task.clear_ibuf [dreg:s10], $0x2FFFF;
	_ =	strace $0x9FFFFFFF  }
0xc8: {  	(tm) =	ssettm $0x7FFFFFFF  }
0xc9: {  	_ =	shalt  }
tec
execute0_lowered:
.L_overlay_start_1:
0x0: {  	(tag) =	ssettag $0x1  }
0x1: {  	s0 =	rddreg [dreg:$0x0]  }
0x2: {  	s14 =	rddreg [dreg:$0x1]  }
0x3: {  	s5 =	rddreg [dreg:$0x4];
	s3 =	simm.s32 $0x0  }
0x4: {  	[smem:$0x7FF] =	sst s3;
	s19 =	sadd.s32 $0x600, s14  }
0x5: {  	s20 =	sadd.s32 $0x800, s14;
	_ =	strace $0x80000047;
	[dreg:$0x8] =	wrdreg s19  }
0x6: {  	v0 =	vimm.s32 $0x76543210;
	s21 =	sadd.s32 $0xA00, s14;
	[dreg:$0x9] =	wrdreg s20  }
0x7: {  	v1 =	vimm.s32 $0xFEDCBA98;
	v2 =	vimm.s32 $0xBA98FEDC;
	s22 =	sadd.s32 $0xC00, s14;
	[dreg:$0xa] =	wrdreg s21  }
0x8: {  	v3 =	vimm.s32 $0x32107654;
	v4 =	vimm.s32 $0xDCFE98BA;
	s23 =	sadd.s32 $0xE00, s14;
	[dreg:$0xb] =	wrdreg s22  }
0x9: {  	v5 =	vimm.s32 $0x54761032;
	v6 =	vimm.s32 $0xEFCDAB89;
	s24 =	sadd.s32 $0x1000, s14;
	[dreg:$0xc] =	wrdreg s23  }
0xa: {  	s1 =	srdreg.scid;
	v7 =	vimm.s32 $0x67452301;
	s25 =	sadd.s32 $0x1200, s14;
	v1 =	vunpack.c.l.s4.s8 v1;
	v2 =	vunpack.c.l.s4.s8 v2;
	[dreg:$0xd] =	wrdreg s24  }
0xb: {  	s2 =	stileid.u32;
	s26 =	sadd.s32 $0x1400, s14;
	v3 =	vunpack.c.l.s4.s8 v3;
	v4 =	vunpack.c.l.s4.s8 v4;
	v5 =	vunpack.c.l.s4.s8 v5;
	[dreg:$0xe] =	wrdreg s25  }
0xc: {  	s1 =	sand.u32 $0x1, s1;
	s28 =	sadd.s32 $0x1600, s14;
	v6 =	vunpack.c.l.s4.s8 v6;
	v7 =	vunpack.c.l.s4.s8 v7;
	[dreg:$0xf] =	wrdreg s26;
	v2 =	vunpack.c.0.s8.s32 v2  }
0xd: {  	s2 =	sshll.u32 s2, $0x1;
	s30 =	sadd.s32 $0x40, s5;
	[dreg:$0x10] =	wrdreg s28;
	v3 =	vunpack.c.0.s8.s32 v3;
	v4 =	vunpack.c.0.s8.s32 v4;
	v5 =	vunpack.c.0.s8.s32 v5  }
0xe: {  	s16 =	sadd.s32 $0x400, s14;
	v0 =	vunpack.c.l.s4.s8 v0;
	s2 =	sor.u32 s1, s2;
	[dreg:$0x12] =	wrdreg s30;
	v6 =	vunpack.c.0.s8.s32 v6;
	v7 =	vunpack.c.0.s8.s32 v7  }
0xf: {  	s1 =	ssub.s32 $0x2, s1;
	[dreg:$0x7] =	wrdreg s16;
	s18 =	sshll.u32 s2, $0xA;
	v1 =	vunpack.c.0.s8.s32 v1;
	v3 =	vcombine.low v3, v2;
	v4 =	vcombine.low v5, v4  }
0x10: {  	s4 =	sshrl.u32 s1, $0x1;
	s29 =	sshll.u32 s2, $0x5;
	s0 =	sadd.s32 s18, s0;
	v2 =	vlaneseq.u32;
	v5 =	vunpack.c.0.s8.s32 v0;
	v6 =	vcombine.low v7, v6  }
0x11: {  	s1 =	ssub.s32 s1, s4;
	[dreg:$0x11] =	wrdreg s29;
	s0 =	sadd.s32 $0x400, s0;
	v7 =	vand.u32 $0xF, v1;
	v0 =	vand.u32 $0x3, v2;
	v2 =	vshrl.u32 v2, $0x2  }
0x12: {  	vm0 =	vmmov $0xffff;
	s31 =	smax.u32 s1, $0x1;
	[dreg:$0x6] =	wrdreg s0;
	v1 =	vmul.u32 $0x8, v2;
	v2 =	vcombine.low v7, v5  }
0x13: {  	s15 =	sadd.s32 $0x200, s14;
	s2 =	simm.s32 $0x0;
	[dreg:$0x13] =	wrdreg s31;
	v3 =	vand.u32 $0xF, v3;
	v4 =	vand.u32 $0xF, v4;
	v5 =	vand.u32 $0xF, v6  }
.LBB2_1:
0x14: {  	[dreg:$0x14] =	wrdreg s2  }
0x15: {  	s1 =	simm.s32 $0x0;
	s0 =	rddreg [dreg:$0x6];
	s3 =	simm.s32 $0x5  }
0x16: {  	[tilespmem:s1], [sflag:$0x5] =	stream.linear.gather [hbm4b:s0+s1], $0x2000, $0x38;
	[tilespmem:$0x1D000] =	vst v63  }
0x17: {  	_ =	swait.ge [sflag:s3], $0x2000  }
0x18: {  	[sflag:s3] =	ssyncset.done $0x0  }
0x19: {  	[sflag:s3] =	ssyncadd.s32 $0xFFFFE000  }
0x1a: {  	s19 =	simm.s32 $0x1A000;
	s18 =	rddreg [dreg:$0x2]  }
0x1b: {  	[tilespmem:s19], [sflag:$0x5] =	stream.linear.gather [hbm4b:s18+s1], $0x1800, $0x38;
	[tilespmem:$0x1D000] =	vst v63  }
0x1c: {  	_ =	swait.ge [sflag:s3], $0x1800  }
0x1d: {  	[sflag:s3] =	ssyncset.done $0x0  }
0x1e: {  	[sflag:s3] =	ssyncadd.s32 $0xFFFFE800  }
0x1f: {  	s21 =	simm.s32 $0x1B800;
	s20 =	rddreg [dreg:$0x3]  }
0x20: {  	[tilespmem:s21], [sflag:$0x5] =	stream.linear.gather [hbm4b:s20+s1], $0x1800, $0x38;
	[tilespmem:$0x1D000] =	vst v63  }
0x21: {  	_ =	swait.ge [sflag:s3], $0x1800  }
0x22: {  	[sflag:s3] =	ssyncset.done $0x0  }
0x23: {  	[sflag:s3] =	ssyncadd.s32 $0xFFFFE800  }
0x24: {  	[bflag:$0x0] =	sbarrier.arrive $0xFFFF  }
0x25: {  	v6 =	vld.msk [tilespmem:$0x0], $0xf;
	_ =	sdelay $0x4  }
0x26: {  	v7 =	vshrl.u32 v6, $0x3  }
0x27: {  	v7 =	vmul.u32 $0x180, v7  }
0x28: {  	v6 =	vand.u32 $0x7, v6  }
0x29: {  	v6 =	vor.u32 v6, v7  }
0x2a: {  	v6 =	vperm.xlane v6, v0;
	_ =	sdelay $0x1  }
0x2b: {  	v6 =	vadd.s32 v1, v6;
	_ =	sdelay $0x3  }
0x2c: {  	s22 =	simm.s32 $0x2000  }
0x2d: {  	[tilespmem:s22], [sflag:$0x1] =	stream.indirect_vreg.gather [hbm4b:s14+s1], $0x80, v6, vm0, $0xb8;
	[tilespmem:$0x1D000] =	vst v63  }
0x2e: {  	s23 =	simm.s32 $0x2800  }
0x2f: {  	[tilespmem:s23], [sflag:$0x1] =	stream.indirect_vreg.gather [hbm4b:s15+s1], $0x80, v6, vm0, $0xb8;
	[tilespmem:$0x1D000] =	vst v63  }
0x30: {  	s24 =	simm.s32 $0x3000  }
0x31: {  	[tilespmem:s24], [sflag:$0x1] =	stream.indirect_vreg.gather [hbm4b:s16+s1], $0x80, v6, vm0, $0xb8;
	[tilespmem:$0x1D000] =	vst v63  }
0x32: {  	s26 =	simm.s32 $0x3800;
	s25 =	rddreg [dreg:$0x8]  }
0x33: {  	[tilespmem:s26], [sflag:$0x1] =	stream.indirect_vreg.gather [hbm4b:s25+s1], $0x80, v6, vm0, $0xb8;
	[tilespmem:$0x1D000] =	vst v63  }
0x34: {  	s29 =	simm.s32 $0x4000;
	s28 =	rddreg [dreg:$0x9]  }
0x35: {  	[tilespmem:s29], [sflag:$0x1] =	stream.indirect_vreg.gather [hbm4b:s28+s1], $0x80, v6, vm0, $0xb8;
	[tilespmem:$0x1D000] =	vst v63  }
0x36: {  	s4 =	simm.s32 $0x4800;
	s30 =	rddreg [dreg:$0xa]  }
0x37: {  	[tilespmem:s4], [sflag:$0x1] =	stream.indirect_vreg.gather [hbm4b:s30+s1], $0x80, v6, vm0, $0xb8;
	[tilespmem:$0x1D000] =	vst v63  }
0x38: {  	s5 =	simm.s32 $0x5000;
	s31 =	rddreg [dreg:$0xb]  }
0x39: {  	[tilespmem:s5], [sflag:$0x1] =	stream.indirect_vreg.gather [hbm4b:s31+s1], $0x80, v6, vm0, $0xb8;
	[tilespmem:$0x1D000] =	vst v63  }
0x3a: {  	s6 =	simm.s32 $0x5800;
	s11 =	rddreg [dreg:$0xc]  }
0x3b: {  	[tilespmem:s6], [sflag:$0x1] =	stream.indirect_vreg.gather [hbm4b:s11+s1], $0x80, v6, vm0, $0xb8;
	[tilespmem:$0x1D000] =	vst v63  }
0x3c: {  	s7 =	simm.s32 $0x6000;
	s12 =	rddreg [dreg:$0xd]  }
0x3d: {  	[tilespmem:s7], [sflag:$0x1] =	stream.indirect_vreg.gather [hbm4b:s12+s1], $0x80, v6, vm0, $0xb8;
	[tilespmem:$0x1D000] =	vst v63  }
0x3e: {  	s8 =	simm.s32 $0x6800;
	s13 =	rddreg [dreg:$0xe]  }
0x3f: {  	[tilespmem:s8], [sflag:$0x1] =	stream.indirect_vreg.gather [hbm4b:s13+s1], $0x80, v6, vm0, $0xb8;
	[tilespmem:$0x1D000] =	vst v63  }
0x40: {  	s9 =	simm.s32 $0x7000;
	s17 =	rddreg [dreg:$0xf]  }
0x41: {  	[tilespmem:s9], [sflag:$0x1] =	stream.indirect_vreg.gather [hbm4b:s17+s1], $0x80, v6, vm0, $0xb8;
	[tilespmem:$0x1D000] =	vst v63  }
0x42: {  	s10 =	simm.s32 $0x7800;
	s18 =	rddreg [dreg:$0x10]  }
0x43: {  	[tilespmem:s10], [sflag:$0x1] =	stream.indirect_vreg.gather [hbm4b:s18+s1], $0x80, v6, vm0, $0xb8;
	[tilespmem:$0x1D000] =	vst v63  }
0x44: {  	v6 =	vld.msk [tilespmem:$0x80], $0xf;
	_ =	sdelay $0x4  }
0x45: {  	v7 =	vshrl.u32 v6, $0x3  }
0x46: {  	v7 =	vmul.u32 $0x180, v7  }
0x47: {  	v6 =	vand.u32 $0x7, v6  }
0x48: {  	v6 =	vor.u32 v6, v7  }
0x49: {  	v6 =	vperm.xlane v6, v0;
	_ =	sdelay $0x1  }
0x4a: {  	v6 =	vadd.s32 v1, v6;
	_ =	sdelay $0x3  }
0x4b: {  	s19 =	simm.s32 $0x8000  }
0x4c: {  	[tilespmem:s19], [sflag:$0x2] =	stream.indirect_vreg.gather [hbm4b:s14+s1], $0x80, v6, vm0, $0xb8;
	[tilespmem:$0x1D000] =	vst v63  }
0x4d: {  	s20 =	simm.s32 $0x8800  }
0x4e: {  	[tilespmem:s20], [sflag:$0x2] =	stream.indirect_vreg.gather [hbm4b:s15+s1], $0x80, v6, vm0, $0xb8;
	[tilespmem:$0x1D000] =	vst v63  }
0x4f: {  	s21 =	simm.s32 $0x9000  }
0x50: {  	[tilespmem:s21], [sflag:$0x2] =	stream.indirect_vreg.gather [hbm4b:s16+s1], $0x80, v6, vm0, $0xb8;
	[tilespmem:$0x1D000] =	vst v63  }
0x51: {  	s22 =	simm.s32 $0x9800  }
0x52: {  	[tilespmem:s22], [sflag:$0x2] =	stream.indirect_vreg.gather [hbm4b:s25+s1], $0x80, v6, vm0, $0xb8;
	[tilespmem:$0x1D000] =	vst v63  }
0x53: {  	s23 =	simm.s32 $0xA000  }
0x54: {  	[tilespmem:s23], [sflag:$0x2] =	stream.indirect_vreg.gather [hbm4b:s28+s1], $0x80, v6, vm0, $0xb8;
	[tilespmem:$0x1D000] =	vst v63  }
0x55: {  	s24 =	simm.s32 $0xA800  }
0x56: {  	[tilespmem:s24], [sflag:$0x2] =	stream.indirect_vreg.gather [hbm4b:s30+s1], $0x80, v6, vm0, $0xb8;
	[tilespmem:$0x1D000] =	vst v63  }
0x57: {  	s25 =	simm.s32 $0xB000  }
0x58: {  	[tilespmem:s25], [sflag:$0x2] =	stream.indirect_vreg.gather [hbm4b:s31+s1], $0x80, v6, vm0, $0xb8;
	[tilespmem:$0x1D000] =	vst v63  }
0x59: {  	s26 =	simm.s32 $0xB800  }
0x5a: {  	[tilespmem:s26], [sflag:$0x2] =	stream.indirect_vreg.gather [hbm4b:s11+s1], $0x80, v6, vm0, $0xb8;
	[tilespmem:$0x1D000] =	vst v63  }
0x5b: {  	s28 =	simm.s32 $0xC000  }
0x5c: {  	[tilespmem:s28], [sflag:$0x2] =	stream.indirect_vreg.gather [hbm4b:s12+s1], $0x80, v6, vm0, $0xb8;
	[tilespmem:$0x1D000] =	vst v63  }
0x5d: {  	s29 =	simm.s32 $0xC800  }
0x5e: {  	[tilespmem:s29], [sflag:$0x2] =	stream.indirect_vreg.gather [hbm4b:s13+s1], $0x80, v6, vm0, $0xb8;
	[tilespmem:$0x1D000] =	vst v63  }
0x5f: {  	s30 =	simm.s32 $0xD000  }
0x60: {  	[tilespmem:s30], [sflag:$0x2] =	stream.indirect_vreg.gather [hbm4b:s17+s1], $0x80, v6, vm0, $0xb8;
	[tilespmem:$0x1D000] =	vst v63  }
0x61: {  	s4 =	simm.s32 $0x0;
	s31 =	simm.s32 $0xD800  }
0x62: {  	[tilespmem:s31], [sflag:$0x2] =	stream.indirect_vreg.gather [hbm4b:s18+s1], $0x80, v6, vm0, $0xb8;
	[tilespmem:$0x1D000] =	vst v63  }
.LBB2_2:
0x63: {  	s0 =	simm.s32 $0x1  }
0x64: {  	_ =	swait.ge [sflag:s0], $0x6000  }
0x65: {  	p1 =	seq.s32 s4, $0x0;
	[sflag:s0] =	ssyncset.done $0x0  }
0x66: {  	[sflag:s0] =	ssyncadd.s32 $0xFFFFA000;
	s0 =	simm.s32 @!p1 $0x3  }
0x67: {  	s1 =	simm.s32 $0x0;
	_ =	swait.ge @!p1 [sflag:s0], $0x6000  }
0x68: {  	s2 =	sand.u32 $0x70, s1;
	s1 =	sand.u32 $0x7E00, s1;
	[sflag:s0] =	ssyncset.done @!p1 $0x0  }
0x69: {  	s29 =	sor.u32 s2, s1;
	[sflag:s0] =	ssyncadd.s32 @!p1 $0xFFFFA000  }
0x6a: {  	v6 =	vld [tilespmem:s29+$0x2180]  }
0x6b: {  	v10 =	vld [tilespmem:s29+$0x2000]  }
0x6c: {  	v12 =	vld [tilespmem:s29+$0x2080]  }
0x6d: {  	v17 =	vld [tilespmem:s29+$0x2100]  }
0x6e: {  	s30 =	simm.s32 $0x10;
	s0 =	simm.s32 $0x40  }
0x6f: {  	v9 =	vimm.f32 $0.0e+00;
	s1 =	sand.u32 $0x70, s30;
	s31 =	sand.u32 $0x7E00, s0  }
0x70: {  	s1 =	sor.u32 s1, s31;
	v8 =	vadd.f32 v6, v9;
	v6 =	vmul.f32 v6, v6  }
0x71: {  	v7 =	vld [tilespmem:s1+$0x2180];
	v13 =	vmul.f32 v10, v10;
	v14 =	vadd.f32 v10, v9;
	v11 =	vadd.f32 v12, v9  }
0x72: {  	v15 =	vld [tilespmem:s1+$0x2000];
	v18 =	vmul.f32 v12, v12;
	v10 =	vadd.f32 v17, v9;
	v17 =	vmul.f32 v17, v17  }
0x73: {  	s2 =	simm.s32 $0x20;
	v12 =	vimm.f32 $0.0e+00;
	v6 =	vadd.f32 v6, v9;
	v16 =	vadd.f32 v13, v9;
	v13 =	vld [tilespmem:s1+$0x2080]  }
.LBB2_3:
0x74: {  	s3 =	sand.u32 $0x70, s2;
	v19 =	vld [tilespmem:s1+$0x2100];
	s0 =	sadd.s32 $0x40, s0;
	v9 =	vadd.f32 v18, v9;
	p0 =	sne.s32 s2, $0x17F0  }
.Ltmp0:
0x75: {  	s2 =	sadd.s32 $0x10, s2;
	s1 =	sand.u32 $0x7E00, s0;
	v12 =	vadd.f32 v17, v12;
	(pc) =	sbr.rel @p0 .LBB2_3-.Ltmp0, $4  }
0x76: {  	s1 =	sor.u32 s3, s1;
	v8 =	vadd.f32 v7, v8;
	v17 =	vmul.f32 v7, v7  }
0x77: {  	v7 =	vld [tilespmem:s1+$0x2180];
	v14 =	vadd.f32 v15, v14;
	v20 =	vmul.f32 v15, v15  }
0x78: {  	v15 =	vld [tilespmem:s1+$0x2000];
	v11 =	vadd.f32 v13, v11;
	v18 =	vmul.f32 v13, v13;
	v6 =	vadd.f32 v17, v6  }
0x79: {  	v13 =	vld [tilespmem:s1+$0x2080];
	v16 =	vadd.f32 v20, v16;
	v10 =	vadd.f32 v19, v10;
	v17 =	vmul.f32 v19, v19  }
0x7a: {  	_ =	sdelay $0x2  }
0x7b: {  	v19 =	vmul.f32 v15, v15  }
0x7c: {  	v14 =	vadd.f32 v15, v14  }
0x7d: {  	v15 =	vadd.f32 v19, v16  }
0x7e: {  	v16 =	vperm.xlane v14, v2  }
0x7f: {  	v19 =	vperm.xlane v15, v2  }
0x80: {  	v14 =	vadd.f32 v16, v14  }
0x81: {  	v15 =	vadd.f32 v19, v15  }
0x82: {  	v16 =	vperm.xlane v14, v3  }
0x83: {  	v19 =	vperm.xlane v15, v3  }
0x84: {  	v9 =	vadd.f32 v18, v9;
	v14 =	vadd.f32 v16, v14  }
0x85: {  	v18 =	vld [tilespmem:s1+$0x2100];
	v20 =	vmul.f32 v13, v13;
	v11 =	vadd.f32 v13, v11;
	v15 =	vadd.f32 v19, v15  }
0x86: {  	v12 =	vadd.f32 v17, v12;
	v13 =	vperm.xlane v14, v4  }
0x87: {  	v9 =	vadd.f32 v20, v9;
	v17 =	vperm.xlane v11, v2;
	v16 =	vperm.xlane v15, v4  }
0x88: {  	v13 =	vadd.f32 v13, v14  }
0x89: {  	v11 =	vadd.f32 v17, v11;
	v14 =	vadd.f32 v16, v15;
	v15 =	vperm.xlane v9, v2  }
0x8a: {  	v10 =	vadd.f32 v18, v10;
	v16 =	vmul.f32 v18, v18;
	v17 =	vperm.xlane v13, v5  }
0x8b: {  	v18 =	vperm.xlane v14, v5;
	v9 =	vadd.f32 v15, v9;
	v15 =	vperm.xlane v11, v3  }
0x8c: {  	v12 =	vadd.f32 v16, v12;
	v16 =	vperm.xlane v10, v2;
	v13 =	vadd.f32 v17, v13  }
0x8d: {  	v14 =	vadd.f32 v18, v14;
	v17 =	vperm.xlane v9, v3;
	v11 =	vadd.f32 v15, v11  }
0x8e: {  	v10 =	vadd.f32 v16, v10;
	v15 =	vperm.xlane v12, v2;
	v13 =	vmul.f32 $1.627604220e-04, v13  }
0x8f: {  	v14 =	vmul.f32 $1.627604220e-04, v14;
	v9 =	vadd.f32 v17, v9;
	v16 =	vperm.xlane v11, v4  }
0x90: {  	v12 =	vadd.f32 v15, v12;
	v15 =	vperm.xlane v10, v3;
	v17 =	vmul.f32 v13, v13  }
0x91: {  	v8 =	vadd.f32 v7, v8;
	v18 =	vperm.xlane v9, v4;
	v11 =	vadd.f32 v16, v11  }
0x92: {  	v10 =	vadd.f32 v15, v10;
	v15 =	vperm.xlane v12, v3;
	v14 =	vsub.f32 v14, v17  }
0x93: {  	v7 =	vmul.f32 v7, v7;
	v9 =	vadd.f32 v18, v9;
	v16 =	vperm.xlane v11, v5  }
0x94: {  	v12 =	vadd.f32 v15, v12;
	v15 =	vperm.xlane v10, v4;
	v14 =	vadd.f32 $9.999999740e-06, v14  }
0x95: {  	v6 =	vadd.f32 v7, v6;
	v17 =	vperm.xlane v9, v5;
	v11 =	vadd.f32 v16, v11  }
0x96: {  	v10 =	vadd.f32 v15, v10;
	v15 =	vperm.xlane v12, v4;
	v7 =	vshrl.u32 v14, $0x1  }
0x97: {  	v16 =	vperm.xlane v8, v2;
	v14 =	vmul.f32 $5.000000000e-01, v14;
	v9 =	vadd.f32 v17, v9  }
0x98: {  	v11 =	vmul.f32 $1.627604220e-04, v11;
	v12 =	vadd.f32 v15, v12;
	v15 =	vperm.xlane v10, v5  }
0x99: {  	v8 =	vadd.f32 v16, v8;
	v16 =	vperm.xlane v6, v2;
	v9 =	vmul.f32 $1.627604220e-04, v9  }
0x9a: {  	v17 =	vmul.f32 v11, v11;
	v10 =	vadd.f32 v15, v10;
	v15 =	vperm.xlane v12, v5  }
0x9b: {  	v7 =	vsub.s32 $0x5F3759DF, v7;
	v6 =	vadd.f32 v16, v6;
	v16 =	vperm.xlane v8, v3  }
0x9c: {  	v9 =	vsub.f32 v9, v17;
	v12 =	vadd.f32 v15, v12;
	v15 =	vmul.f32 $1.627604220e-04, v10  }
0x9d: {  	v10 =	vmul.f32 v7, v14;
	v8 =	vadd.f32 v16, v8;
	v16 =	vperm.xlane v6, v3  }
0x9e: {  	v9 =	vadd.f32 $9.999999740e-06, v9;
	v12 =	vmul.f32 $1.627604220e-04, v12;
	v17 =	vmul.f32 v15, v15  }
0x9f: {  	v10 =	vmul.f32 v7, v10;
	v6 =	vadd.f32 v16, v6;
	v16 =	vperm.xlane v8, v4  }
0xa0: {  	v18 =	vshrl.u32 v9, $0x1;
	v9 =	vmul.f32 $5.000000000e-01, v9;
	v12 =	vsub.f32 v12, v17  }
0xa1: {  	v8 =	vadd.f32 v16, v8;
	v16 =	vperm.xlane v6, v4;
	v17 =	vsub.s32 $0x5F3759DF, v18  }
0xa2: {  	v18 =	vmul.f32 v17, v9;
	v12 =	vadd.f32 $9.999999740e-06, v12  }
0xa3: {  	v10 =	vsub.f32 $1.500000000e+00, v10;
	v6 =	vadd.f32 v16, v6  }
0xa4: {  	v18 =	vmul.f32 v17, v18;
	v19 =	vshrl.u32 v12, $0x1;
	v12 =	vmul.f32 $5.000000000e-01, v12  }
0xa5: {  	v16 =	vperm.xlane v8, v5;
	v7 =	vmul.f32 v7, v10;
	v19 =	vsub.s32 $0x5F3759DF, v19  }
0xa6: {  	v10 =	vperm.xlane v6, v5;
	v18 =	vsub.f32 $1.500000000e+00, v18;
	v20 =	vmul.f32 v19, v12  }
0xa7: {  	v8 =	vadd.f32 v16, v8  }
0xa8: {  	v6 =	vadd.f32 v10, v6;
	v16 =	vmul.f32 v17, v18;
	v17 =	vmul.f32 v19, v20  }
0xa9: {  	v18 =	vmul.f32 $1.627604220e-04, v8  }
0xaa: {  	v8 =	vmul.f32 v7, v14;
	v6 =	vmul.f32 $1.627604220e-04, v6;
	v10 =	vsub.f32 $1.500000000e+00, v17  }
0xab: {  	s18 =	simm.s32 $0x0;
	v9 =	vmul.f32 v16, v9;
	v14 =	vmul.f32 v18, v18  }
0xac: {  	v22 =	vld [tilespmem:s18+$0x1A040];
	v8 =	vmul.f32 v8, v7;
	v17 =	vmul.f32 v19, v10  }
0xad: {  	s0 =	simm.s32 $0x40;
	s7 =	simm.s32 $0x20;
	s9 =	simm.s32 $0x80;
	v23 =	vld [tilespmem:s18+$0x1B840];
	v9 =	vmul.f32 v9, v16;
	v6 =	vsub.f32 v6, v14  }
0xae: {  	s13 =	simm.s32 $0x100;
	s7 =	sand.u32 $0x60, s7;
	s9 =	sand.u32 $0xFE00, s9;
	v57 =	vld [tilespmem:s18+$0x1B830];
	v8 =	vsub.f32 $1.500000000e+00, v8;
	v10 =	vmul.f32 v17, v12  }
0xaf: {  	s0 =	sand.u32 $0x60, s0;
	s2 =	sand.u32 $0xFE00, s13;
	v37 =	vld [tilespmem:s18+$0x1B850];
	s7 =	sor.u32 s7, s9;
	v9 =	vsub.f32 $1.500000000e+00, v9;
	v6 =	vadd.f32 $9.999999740e-06, v6  }
0xb0: {  	s2 =	sor.u32 s0, s2;
	v25 =	vld [tilespmem:s7+$0x2080];
	v7 =	vmul.f32 v8, v7;
	v12 =	vsub.f32 $0.0e+00, v13;
	v10 =	vmul.f32 v10, v17  }
0xb1: {  	s17 =	simm.s32 $0x0;
	v13 =	vld [tilespmem:s2+$0x2000];
	v8 =	vmul.f32 v9, v16;
	v9 =	vshrl.u32 v6, $0x1;
	v14 =	vmul.f32 $5.000000000e-01, v6  }
0xb2: {  	s3 =	sand.u32 $0x60, s17;
	v16 =	vld [tilespmem:s2+$0x2080];
	v19 =	vsub.s32 $0x5F3759DF, v9  }
0xb3: {  	s5 =	sand.u32 $0x7E00, s17;
	s8 =	sor.u32 $0x10, s3;
	v20 =	vld [tilespmem:s2+$0x2100];
	v6 =	vsub.f32 $0.0e+00, v11;
	v11 =	vsub.f32 $1.500000000e+00, v10;
	v9 =	vmul.f32 v19, v14  }
0xb4: {  	s6 =	sor.u32 s5, s8;
	v26 =	vld [tilespmem:s7+$0x2100];
	v10 =	vmul.f32 v7, v12  }
0xb5: {  	v12 =	vsub.f32 $0.0e+00, v15;
	v11 =	vmul.f32 v11, v17;
	v15 =	vmul.f32 v19, v9;
	v17 =	vld [tilespmem:s6+$0x2080]  }
0xb6: {  	v21 =	vld [tilespmem:s6+$0x2000];
	v6 =	vmul.f32 v8, v6;
	v13 =	vmul.f32 v13, v7  }
0xb7: {  	s5 =	sor.u32 s3, s5;
	v24 =	vld [tilespmem:s6+$0x2100];
	v9 =	vmul.f32 v11, v12;
	v12 =	vmul.f32 v16, v8;
	v15 =	vsub.f32 $1.500000000e+00, v15  }
0xb8: {  	v27 =	vld [tilespmem:s5+$0x2000];
	v13 =	vadd.f32 v13, v10;
	v16 =	vmul.f32 v20, v11  }
0xb9: {  	v28 =	vld [tilespmem:s5+$0x2080];
	v12 =	vadd.f32 v12, v6;
	v15 =	vmul.f32 v19, v15  }
0xba: {  	s21 =	sand.u32 $0x1F80, s17;
	v29 =	vld [tilespmem:s5+$0x2100];
	v13 =	vmul.f32 v13, v22;
	v16 =	vadd.f32 v16, v9;
	v17 =	vmul.f32 v17, v8  }
0xbb: {  	s8 =	sor.u32 s21, s8;
	v20 =	vld [tilespmem:s7+$0x2000];
	v12 =	vmul.f32 v12, v22;
	v14 =	vmul.f32 v15, v14  }
0xbc: {  	s20 =	simm.s32 $0x2;
	v25 =	vmul.f32 v25, v8;
	v19 =	vld [tilespmem:s8+$0x1A000];
	v13 =	vadd.f32 v13, v23;
	v16 =	vmul.f32 v16, v22  }
0xbd: {  	s3 =	sand.u32 $0x3, s20;
	v31 =	vadd.f32 v17, v6;
	v17 =	vld [tilespmem:s18+$0x1B820];
	v12 =	vadd.f32 v12, v23;
	v14 =	vmul.f32 v14, v15  }
0xbe: {  	s3 =	sshll.u32 s3, $0x5;
	v27 =	vmul.f32 v27, v7;
	[tilespmem:s2+$0xE000] =	vst v13;
	v13 =	vadd.f32 v16, v23;
	v16 =	vld [tilespmem:s18+$0x1A020]  }
0xbf: {  	s22 =	simm.s32 $0x30;
	s23 =	simm.s32 $0xC0;
	s3 =	sadd.s32 $0x100, s3;
	v28 =	vmul.f32 v28, v8;
	v25 =	vadd.f32 v25, v6;
	[tilespmem:s2+$0xE080] =	vst v12;
	v12 =	vsub.f32 $1.500000000e+00, v14;
	v14 =	vld [tilespmem:s18+$0x1A000]  }
0xc0: {  	s24 =	sand.u32 $0xFE00, s23;
	v27 =	vadd.f32 v27, v10;
	v20 =	vmul.f32 v20, v7;
	[tilespmem:s2+$0xE100] =	vst v13;
	s2 =	sor.u32 $0x180, s3;
	v13 =	vsub.f32 $0.0e+00, v18;
	v18 =	vld [tilespmem:s8+$0x1B800];
	s3 =	sand.u32 $0x70, s22  }
0xc1: {  	v28 =	vadd.f32 v28, v6;
	v26 =	vmul.f32 v26, v11;
	v29 =	vmul.f32 v29, v11;
	v30 =	vld [tilespmem:s2+$0x2000];
	s3 =	sor.u32 s3, s24  }
0xc2: {  	v20 =	vadd.f32 v20, v10;
	v12 =	vmul.f32 v12, v15;
	v15 =	vmul.f32 v21, v7;
	v32 =	vld [tilespmem:s3+$0x2000]  }
0xc3: {  	v26 =	vadd.f32 v26, v9;
	v31 =	vmul.f32 v31, v19;
	v21 =	vmul.f32 v24, v11;
	v33 =	vld [tilespmem:s3+$0x2080]  }
0xc4: {  	s25 =	simm.s32 $0x50;
	s26 =	simm.s32 $0x140;
	v34 =	vld [tilespmem:s3+$0x2100];
	v20 =	vmul.f32 v20, v16;
	v25 =	vmul.f32 v25, v16;
	v24 =	vadd.f32 v15, v10  }
0xc5: {  	s1 =	sand.u32 $0x3, s17;
	s9 =	sand.u32 $0xFE00, s26;
	s8 =	sand.u32 $0x70, s25;
	v35 =	vld [tilespmem:s3+$0x2180];
	v13 =	vmul.f32 v12, v13;
	v21 =	vadd.f32 v21, v9;
	v31 =	vadd.f32 v31, v18  }
0xc6: {  	s10 =	sshll.u32 s1, $0x5;
	s1 =	sor.u32 s8, s9;
	v15 =	vld [tilespmem:s18+$0x1B800];
	v20 =	vadd.f32 v20, v17;
	v24 =	vmul.f32 v24, v19;
	v30 =	vmul.f32 v30, v12  }
0xc7: {  	v29 =	vadd.f32 v29, v9;
	v25 =	vadd.f32 v25, v17;
	v21 =	vmul.f32 v21, v19;
	[tilespmem:s6+$0xE080] =	vst v31;
	v31 =	vld [tilespmem:s1+$0x2080]  }
0xc8: {  	v26 =	vmul.f32 v26, v16;
	[tilespmem:s7+$0xE000] =	vst v20;
	v20 =	vld [tilespmem:s1+$0x2180];
	v24 =	vadd.f32 v24, v18;
	v30 =	vadd.f32 v30, v13  }
0xc9: {  	s30 =	simm.s32 $0x1;
	s22 =	sadd.s32 $0x0, s10;
	v27 =	vmul.f32 v27, v14;
	v28 =	vmul.f32 v28, v14;
	[tilespmem:s7+$0xE080] =	vst v25;
	v25 =	vld [tilespmem:s18+$0x1A030];
	v21 =	vadd.f32 v21, v18  }
0xca: {  	s28 =	sadd.s32 $0x10, s22;
	s9 =	sand.u32 $0x3, s30;
	v26 =	vadd.f32 v26, v17;
	v29 =	vmul.f32 v29, v14;
	[tilespmem:s6+$0xE000] =	vst v24;
	v24 =	vld [tilespmem:s1+$0x2000];
	v22 =	vmul.f32 v30, v22  }
0xcb: {  	s23 =	sor.u32 $0x180, s28;
	v27 =	vadd.f32 v27, v15;
	v28 =	vadd.f32 v28, v15;
	[tilespmem:s6+$0xE100] =	vst v21;
	v21 =	vld [tilespmem:s1+$0x2100];
	s6 =	sshll.u32 s9, $0x5;
	v30 =	vmul.f32 v32, v7  }
0xcc: {  	s11 =	simm.s32 $0x280;
	s10 =	simm.s32 $0xA0;
	v56 =	vmul.f32 v35, v12;
	v29 =	vadd.f32 v29, v15;
	v36 =	vld [tilespmem:s23+$0x2000];
	s6 =	sadd.s32 $0x80, s6;
	v54 =	vadd.f32 v22, v23  }
0xcd: {  	[tilespmem:s7+$0xE100] =	vst v26;
	v26 =	vld [tilespmem:s18+$0x1A050];
	s7 =	sand.u32 $0xFE00, s11;
	s24 =	sor.u32 $0x180, s6;
	v22 =	vmul.f32 v33, v8;
	v23 =	vmul.f32 v34, v11;
	v30 =	vadd.f32 v30, v10;
	s6 =	sand.u32 $0x60, s10  }
0xce: {  	v34 =	vadd.f32 v56, v13;
	v31 =	vmul.f32 v31, v8;
	v20 =	vmul.f32 v20, v12;
	v55 =	vld [tilespmem:s24+$0x2000];
	s12 =	sor.u32 s6, s7  }
0xcf: {  	s26 =	simm.s32 $0x80;
	s25 =	simm.s32 $0x200;
	v22 =	vadd.f32 v22, v6;
	v23 =	vadd.f32 v23, v9;
	v38 =	vld [tilespmem:s12+$0x2000];
	v30 =	vmul.f32 v30, v25  }
0xd0: {  	s19 =	simm.s32 $0x60;
	s25 =	sand.u32 $0xFE00, s25;
	s6 =	sand.u32 $0x60, s26;
	v39 =	vld [tilespmem:s12+$0x2080];
	v20 =	vadd.f32 v20, v13;
	v24 =	vmul.f32 v24, v7;
	v21 =	vmul.f32 v21, v11  }
0xd1: {  	s13 =	sand.u32 $0x60, s19;
	s7 =	simm.s32 $0x180;
	v41 =	vld [tilespmem:s12+$0x2100];
	s6 =	sor.u32 s6, s25;
	v36 =	vmul.f32 v36, v12;
	v40 =	vmul.f32 v22, v25;
	v22 =	vadd.f32 v31, v6  }
0xd2: {  	s17 =	sor.u32 $0x10, s13;
	s20 =	simm.s32 $0x60;
	s18 =	sand.u32 $0x7E00, s7;
	v62 =	vld [tilespmem:s6+$0x2100];
	v31 =	vmul.f32 v23, v25;
	v25 =	vmul.f32 v34, v25;
	v30 =	vadd.f32 v30, v57  }
0xd3: {  	s21 =	sor.u32 s18, s17;
	v23 =	vld [tilespmem:s20+$0x1A040];
	v24 =	vadd.f32 v24, v10;
	v21 =	vadd.f32 v21, v9;
	v33 =	vmul.f32 v55, v12  }
0xd4: {  	[tilespmem:s5+$0xE000] =	vst v27;
	v58 =	vld [tilespmem:s21+$0x2000];
	v36 =	vadd.f32 v36, v13;
	v42 =	vmul.f32 v22, v26;
	v38 =	vmul.f32 v38, v7  }
0xd5: {  	[tilespmem:s5+$0xE080] =	vst v28;
	v22 =	vld [tilespmem:s20+$0x1B840];
	v27 =	vadd.f32 v40, v57;
	v28 =	vadd.f32 v31, v57;
	v39 =	vmul.f32 v39, v8  }
0xd6: {  	v59 =	vld [tilespmem:s21+$0x2080];
	v25 =	vadd.f32 v25, v57;
	v41 =	vmul.f32 v41, v11;
	v38 =	vadd.f32 v38, v10  }
0xd7: {  	s0 =	sor.u32 s13, s18;
	v43 =	vld [tilespmem:s21+$0x2100];
	v24 =	vmul.f32 v24, v26;
	v21 =	vmul.f32 v21, v26;
	v39 =	vadd.f32 v39, v6  }
0xd8: {  	v63 =	vld [tilespmem:s0+$0x2080];
	v26 =	vmul.f32 v20, v26;
	v61 =	vadd.f32 v41, v9;
	v60 =	vmul.f32 v38, v23  }
0xd9: {  	[tilespmem:s5+$0xE100] =	vst v29;
	v31 =	vld [tilespmem:s0+$0x2000];
	v19 =	vmul.f32 v36, v19;
	v33 =	vadd.f32 v33, v13;
	v39 =	vmul.f32 v39, v23  }
0xda: {  	[tilespmem:s2+$0xE000] =	vst v54;
	s2 =	simm.s32 $0x5;
	v20 =	vld [tilespmem:s6+$0x2000];
	v49 =	vadd.f32 v42, v37;
	v38 =	vmul.f32 v61, v23;
	v32 =	vadd.f32 v60, v22  }
0xdb: {  	s30 =	sand.u32 $0x3, s2;
	v46 =	vld [tilespmem:s0+$0x2100];
	[tilespmem:s3+$0xE000] =	vst v30;
	v24 =	vadd.f32 v24, v37;
	v16 =	vmul.f32 v33, v16;
	v44 =	vadd.f32 v39, v22  }
0xdc: {  	s22 =	sor.u32 $0x180, s22;
	s28 =	sand.u32 $0x1F80, s19;
	s10 =	sshll.u32 s30, $0x5;
	v29 =	vmul.f32 v58, v7;
	v18 =	vadd.f32 v19, v18;
	v19 =	vld [tilespmem:s6+$0x2080];
	v47 =	vadd.f32 v38, v22;
	[tilespmem:s12+$0xE000] =	vst v32  }
0xdd: {  	s5 =	sor.u32 s28, s17;
	s9 =	sadd.s32 $0x280, s10;
	v57 =	vld [tilespmem:s22+$0x2000];
	v48 =	vmul.f32 v43, v11;
	v45 =	vadd.f32 v16, v17;
	v16 =	vmul.f32 v59, v8;
	[tilespmem:s12+$0xE080] =	vst v44  }
0xde: {  	s8 =	sor.u32 $0x180, s9;
	v30 =	vadd.f32 v21, v37;
	v26 =	vadd.f32 v26, v37;
	v53 =	vmul.f32 v63, v8;
	v17 =	vld [tilespmem:s5+$0x1A000];
	[tilespmem:s12+$0xE100] =	vst v47  }
0xdf: {  	[tilespmem:s3+$0xE080] =	vst v27;
	v21 =	vmul.f32 v31, v7;
	v50 =	vadd.f32 v16, v6;
	v16 =	vmul.f32 v20, v7;
	v31 =	vld [tilespmem:s8+$0x2000]  }
0xe0: {  	v27 =	vmul.f32 v62, v11;
	[tilespmem:s3+$0xE100] =	vst v28;
	v29 =	vadd.f32 v29, v10;
	v51 =	vadd.f32 v48, v9;
	v20 =	vld [tilespmem:s20+$0x1A000]  }
0xe1: {  	v33 =	vadd.f32 v53, v6;
	[tilespmem:s23+$0xE000] =	vst v18;
	v18 =	vmul.f32 v19, v8;
	v52 =	vadd.f32 v16, v10;
	v16 =	vld [tilespmem:s20+$0x1A020]  }
0xe2: {  	s11 =	simm.s32 $0x90;
	[tilespmem:s1+$0xE000] =	vst v24;
	v24 =	vadd.f32 v27, v9;
	v36 =	vmul.f32 v57, v12;
	v19 =	vld [tilespmem:s5+$0x1B800];
	s12 =	simm.s32 $0x240;
	v32 =	vmul.f32 v46, v11  }
0xe3: {  	[tilespmem:s3+$0xE180] =	vst v25;
	v54 =	vadd.f32 v21, v10;
	s5 =	sand.u32 $0x70, s11;
	s9 =	sand.u32 $0xFE00, s12;
	v28 =	vadd.f32 v18, v6;
	v29 =	vmul.f32 v29, v17;
	v18 =	vld [tilespmem:s20+$0x1B820]  }
0xe4: {  	v21 =	vld [tilespmem:s20+$0x1B800];
	[tilespmem:s24+$0xE000] =	vst v45;
	v55 =	vmul.f32 v50, v17;
	s24 =	sor.u32 s5, s9;
	v25 =	vadd.f32 v32, v9;
	v31 =	vmul.f32 v31, v12  }
0xe5: {  	v36 =	vadd.f32 v36, v13;
	v56 =	vmul.f32 v51, v17;
	v58 =	vld [tilespmem:s24+$0x2000];
	v34 =	vmul.f32 v54, v20  }
0xe6: {  	s31 =	simm.s32 $0x3;
	s13 =	simm.s32 $0xB0;
	s17 =	simm.s32 $0x2C0;
	[tilespmem:s1+$0xE080] =	vst v49;
	v60 =	vld [tilespmem:s24+$0x2080];
	v59 =	vmul.f32 v25, v20;
	v27 =	vmul.f32 v52, v16;
	v25 =	vadd.f32 v31, v13  }
0xe7: {  	s18 =	sand.u32 $0x3, s31;
	s3 =	sand.u32 $0x70, s13;
	[tilespmem:s1+$0xE100] =	vst v30;
	s5 =	sand.u32 $0xFE00, s17;
	v61 =	vld [tilespmem:s24+$0x2100];
	v29 =	vadd.f32 v29, v19;
	v30 =	vadd.f32 v55, v19;
	v28 =	vmul.f32 v28, v16  }
0xe8: {  	[tilespmem:s1+$0xE180] =	vst v26;
	s23 =	simm.s32 $0x4;
	s9 =	sshll.u32 s18, $0x5;
	s3 =	sor.u32 s3, s5;
	v24 =	vmul.f32 v24, v16;
	v31 =	vadd.f32 v27, v18;
	v27 =	vld [tilespmem:s24+$0x2180];
	v23 =	vmul.f32 v25, v23  }
0xe9: {  	s25 =	sand.u32 $0x3, s23;
	s26 =	sadd.s32 $0x180, s9;
	v33 =	vmul.f32 v33, v20;
	v26 =	vadd.f32 v56, v19;
	[tilespmem:s21+$0xE000] =	vst v29;
	v32 =	vadd.f32 v28, v18;
	v28 =	vld [tilespmem:s3+$0x2000]  }
0xea: {  	s28 =	sshll.u32 s25, $0x5;
	s30 =	sadd.s32 $0x10, s26;
	[tilespmem:s21+$0xE080] =	vst v30;
	v30 =	vld [tilespmem:s3+$0x2080];
	v29 =	vadd.f32 v24, v18;
	v62 =	vmul.f32 v58, v7;
	v63 =	vadd.f32 v23, v22  }
0xeb: {  	s1 =	simm.s32 $0x6;
	s9 =	sadd.s32 $0x200, s28;
	s29 =	sor.u32 $0x180, s30;
	[tilespmem:s21+$0xE100] =	vst v26;
	v26 =	vld [tilespmem:s3+$0x2100];
	v24 =	vadd.f32 v34, v21;
	v35 =	vmul.f32 v60, v8;
	v25 =	vadd.f32 v33, v21  }
0xec: {  	s23 =	simm.s32 $0x7;
	s5 =	sor.u32 $0x180, s26;
	s25 =	sor.u32 $0x180, s9;
	v34 =	vmul.f32 v61, v11;
	v33 =	vld [tilespmem:s29+$0x2000];
	v22 =	vadd.f32 v59, v21;
	v23 =	vadd.f32 v62, v10;
	[tilespmem:s8+$0xE000] =	vst v63  }
.LBB2_5:
0xed: {  	s8 =	sand.u32 $0x3, s23;
	[tilespmem:s6+$0xE000] =	vst v31;
	v31 =	vadd.f32 v35, v6;
	v27 =	vmul.f32 v27, v12;
	v35 =	vld [tilespmem:s3+$0x2180];
	s31 =	sadd.s32 $0x3, s31  }
0xee: {  	s10 =	sand.u32 $0x3, s31;
	s9 =	sshll.u32 s8, $0x5;
	[tilespmem:s6+$0xE080] =	vst v32;
	v32 =	vld [tilespmem:s20+$0x1A030];
	v34 =	vadd.f32 v34, v9;
	v28 =	vmul.f32 v28, v7;
	v36 =	vmul.f32 v36, v14  }
0xef: {  	s7 =	sadd.s32 $0x180, s7;
	s19 =	sadd.s32 $0x60, s19;
	v14 =	vmov v20;
	s8 =	sshll.u32 s10, $0x5;
	[tilespmem:s6+$0xE100] =	vst v29;
	v27 =	vadd.f32 v27, v13;
	v29 =	vld [tilespmem:s20+$0x1A050];
	v30 =	vmul.f32 v30, v8  }
0xf0: {  	s21 =	sadd.s32 $0x100, s7;
	s6 =	sand.u32 $0x60, s19;
	s10 =	sadd.s32 $0x40, s19;
	[tilespmem:s0+$0xE000] =	vst v24;
	v20 =	vld [tilespmem:s25+$0x2000];
	v24 =	vadd.f32 v28, v10;
	v26 =	vmul.f32 v26, v11;
	v28 =	vadd.f32 v36, v15  }
0xf1: {  	s26 =	sadd.s32 $0x20, s19;
	s28 =	sand.u32 $0xFE00, s21;
	s10 =	sand.u32 $0x60, s10;
	v15 =	vmov v21;
	[tilespmem:s0+$0xE080] =	vst v25;
	v25 =	vmul.f32 v33, v12;
	v33 =	vld [tilespmem:s20+$0x1B830];
	v30 =	vadd.f32 v30, v6  }
0xf2: {  	s1 =	sadd.s32 $0x6, s1;
	s30 =	sadd.s32 $0x80, s7;
	s28 =	sor.u32 s10, s28;
	[tilespmem:s0+$0xE100] =	vst v22;
	v21 =	vld [tilespmem:s20+$0x1B850];
	v26 =	vadd.f32 v26, v9;
	v22 =	vmul.f32 v35, v12  }
0xf3: {  	p0 =	slt.u32 s1, $0x17A;
	s10 =	sor.u32 $0x10, s6;
	s20 =	sand.u32 $0x60, s26;
	v35 =	vld [tilespmem:s28+$0x2000];
	v25 =	vadd.f32 v25, v13;
	v23 =	vmul.f32 v23, v32;
	v31 =	vmul.f32 v31, v32;
	[tilespmem:s22+$0xE000] =	vst v28  }
0xf4: {  	s11 =	sand.u32 $0x1F80, s19;
	s12 =	sand.u32 $0xFE00, s30;
	s22 =	sand.u32 $0x7E00, s7;
	v34 =	vmul.f32 v34, v32;
	v27 =	vmul.f32 v27, v32;
	v28 =	vld [tilespmem:s28+$0x2080];
	v32 =	vadd.f32 v22, v13  }
0xf5: {  	s0 =	sor.u32 s6, s22;
	s26 =	sor.u32 s22, s10;
	s6 =	sor.u32 s20, s12;
	v36 =	vld [tilespmem:s28+$0x2100];
	v17 =	vmul.f32 v25, v17;
	v20 =	vmul.f32 v20, v12  }
0xf6: {  	s20 =	sshra.s32 s7, $0x2;
	s12 =	sadd.s32 s8, s7;
	s8 =	sor.u32 s11, s10;
	v24 =	vmul.f32 v24, v29;
	v30 =	vmul.f32 v30, v29;
	v25 =	vld [tilespmem:s26+$0x2000];
	v23 =	vadd.f32 v23, v33  }
0xf7: {  	s10 =	sadd.s32 $0x30, s19;
	s11 =	sadd.s32 $0xC0, s7;
	s22 =	sadd.s32 $0x50, s19;
	v26 =	vmul.f32 v26, v29;
	v29 =	vmul.f32 v32, v29;
	v22 =	vld [tilespmem:s20+$0x1A040];
	v20 =	vadd.f32 v20, v13  }
0xf8: {  	s9 =	sadd.s32 s9, s30;
	s30 =	sadd.s32 $0x140, s7;
	s13 =	sadd.s32 $0x10, s12;
	v17 =	vadd.f32 v17, v19;
	v19 =	vadd.f32 v31, v33;
	v32 =	vld [tilespmem:s26+$0x2080];
	v35 =	vmul.f32 v35, v7;
	[tilespmem:s24+$0xE000] =	vst v23  }
0xf9: {  	s10 =	sand.u32 $0x70, s10;
	s11 =	sand.u32 $0xFE00, s11;
	s22 =	sand.u32 $0x70, s22;
	v23 =	vld [tilespmem:s20+$0x1B840];
	v28 =	vmul.f32 v28, v8;
	v16 =	vmul.f32 v20, v16;
	v20 =	vadd.f32 v34, v33  }
0xfa: {  	s30 =	sand.u32 $0xFE00, s30;
	s12 =	sor.u32 $0x180, s12;
	v31 =	vld [tilespmem:s26+$0x2100];
	v34 =	vadd.f32 v35, v10;
	v35 =	vmul.f32 v36, v11;
	[tilespmem:s29+$0xE000] =	vst v17;
	s29 =	sor.u32 $0x180, s13;
	v17 =	vadd.f32 v27, v33  }
0xfb: {  	s9 =	sor.u32 $0x180, s9;
	s11 =	sor.u32 s10, s11;
	s10 =	sor.u32 s22, s30;
	v25 =	vmul.f32 v25, v7;
	v27 =	vld [tilespmem:s6+$0x2000];
	v28 =	vadd.f32 v28, v6;
	v16 =	vadd.f32 v16, v18;
	[tilespmem:s24+$0xE080] =	vst v19  }
0xfc: {  	s22 =	smov.u32 s5;
	s5 =	smov.u32 s12;
	v18 =	vld [tilespmem:s6+$0x2080];
	v19 =	vmul.f32 v34, v22;
	v33 =	vadd.f32 v35, v9;
	[tilespmem:s24+$0xE100] =	vst v20;
	v20 =	vadd.f32 v24, v21  }
0xfd: {  	v24 =	vadd.f32 v25, v10;
	v25 =	vmul.f32 v32, v8;
	v32 =	vld [tilespmem:s6+$0x2100];
	v28 =	vmul.f32 v28, v22;
	[tilespmem:s25+$0xE000] =	vst v16;
	s25 =	smov.u32 s9  }
0xfe: {  	s2 =	sadd.s32 $0x3, s2;
	v30 =	vadd.f32 v30, v21;
	v16 =	vld [tilespmem:s0+$0x2000];
	v19 =	vadd.f32 v19, v23;
	v33 =	vmul.f32 v33, v22;
	[tilespmem:s24+$0xE180] =	vst v17;
	s24 =	smov.u32 s11  }
0xff: {  	s9 =	sand.u32 $0x3, s2;
	v34 =	vld [tilespmem:s0+$0x2080];
	v25 =	vadd.f32 v25, v6;
	v31 =	vmul.f32 v31, v11;
	v28 =	vadd.f32 v28, v23;
	[tilespmem:s3+$0xE000] =	vst v20  }
0x100: {  	v26 =	vadd.f32 v26, v21;
	s9 =	sshll.u32 s9, $0x5;
	v35 =	vld [tilespmem:s0+$0x2100];
	v27 =	vmul.f32 v27, v7;
	[tilespmem:s28+$0xE000] =	vst v19;
	v19 =	vadd.f32 v33, v23  }
0x101: {  	v21 =	vadd.f32 v29, v21;
	s9 =	sadd.s32 s9, s21;
	v17 =	vld [tilespmem:s8+$0x1A000];
	v31 =	vadd.f32 v31, v9;
	v18 =	vmul.f32 v18, v8;
	[tilespmem:s28+$0xE080] =	vst v28  }
0x102: {  	s9 =	sor.u32 $0x180, s9;
	v20 =	vld [tilespmem:s20+$0x1A000];
	v27 =	vadd.f32 v27, v10;
	v28 =	vmul.f32 v32, v11;
	[tilespmem:s28+$0xE100] =	vst v19  }
0x103: {  	v19 =	vmul.f32 v16, v7;
	v29 =	vadd.f32 v18, v6;
	v32 =	vld [tilespmem:s9+$0x2000];
	[tilespmem:s3+$0xE080] =	vst v30  }
0x104: {  	v18 =	vmul.f32 v34, v8;
	v16 =	vld [tilespmem:s20+$0x1A020];
	v28 =	vadd.f32 v28, v9;
	[tilespmem:s3+$0xE100] =	vst v26  }
0x105: {  	v26 =	vadd.f32 v19, v10;
	v30 =	vmul.f32 v35, v11;
	v19 =	vld [tilespmem:s8+$0x1B800];
	[tilespmem:s3+$0xE180] =	vst v21;
	s3 =	smov.u32 s10  }
0x106: {  	v21 =	vld [tilespmem:s20+$0x1B800];
	v33 =	vadd.f32 v18, v6;
	v24 =	vmul.f32 v24, v17;
	v25 =	vmul.f32 v25, v17  }
0x107: {  	v31 =	vmul.f32 v31, v17;
	v26 =	vmul.f32 v26, v20;
	v30 =	vadd.f32 v30, v9;
	v18 =	vld [tilespmem:s20+$0x1B820]  }
0x108: {  	v33 =	vmul.f32 v33, v20;
	v32 =	vmul.f32 v32, v12;
	v34 =	vld [tilespmem:s22+$0x2000]  }
0x109: {  	v27 =	vmul.f32 v27, v16;
	v29 =	vmul.f32 v29, v16;
	v35 =	vld [tilespmem:s24+$0x2000]  }
0x10a: {  	v36 =	vmul.f32 v30, v20;
	v28 =	vmul.f32 v28, v16;
	v37 =	vld [tilespmem:s24+$0x2080];
	v30 =	vadd.f32 v32, v13  }
0x10b: {  	v24 =	vadd.f32 v24, v19;
	v25 =	vadd.f32 v25, v19;
	v38 =	vld [tilespmem:s24+$0x2100]  }
.Ltmp1:
0x10c: {  	v39 =	vadd.f32 v31, v19;
	v31 =	vadd.f32 v27, v18;
	v27 =	vld [tilespmem:s24+$0x2180];
	v22 =	vmul.f32 v30, v22;
	(pc) =	sbr.rel @p0 .LBB2_5-.Ltmp1, $4  }
0x10d: {  	v32 =	vadd.f32 v29, v18;
	v29 =	vadd.f32 v28, v18;
	[tilespmem:s26+$0xE000] =	vst v24;
	v28 =	vld [tilespmem:s3+$0x2000];
	v40 =	vmul.f32 v34, v12  }
0x10e: {  	v24 =	vadd.f32 v26, v21;
	[tilespmem:s26+$0xE080] =	vst v25;
	v34 =	vmul.f32 v35, v7;
	v41 =	vadd.f32 v22, v23;
	v30 =	vld [tilespmem:s3+$0x2080]  }
0x10f: {  	v25 =	vadd.f32 v33, v21;
	v22 =	vadd.f32 v36, v21;
	[tilespmem:s26+$0xE100] =	vst v39;
	v35 =	vmul.f32 v37, v8;
	v26 =	vld [tilespmem:s3+$0x2100]  }
0x110: {  	s23 =	sadd.s32 $0x3, s23;
	v36 =	vadd.f32 v40, v13;
	v33 =	vld [tilespmem:s29+$0x2000];
	v23 =	vadd.f32 v34, v10;
	v34 =	vmul.f32 v38, v11;
	[tilespmem:s9+$0xE000] =	vst v41  }
0x111: {  	_ =	sdelay $0x1  }
0x112: {  	[tilespmem:s6+$0xE000] =	vst v31;
	v55 =	vld [tilespmem:s20+$0x1A030]  }
0x113: {  	[tilespmem:s6+$0xE080] =	vst v32;
	v27 =	vmul.f32 v27, v12;
	v57 =	vld [tilespmem:s20+$0x1B830]  }
0x114: {  	[tilespmem:s6+$0xE100] =	vst v29;
	v56 =	vadd.f32 v35, v6;
	v60 =	vld [tilespmem:s20+$0x1A050];
	v7 =	vmul.f32 v28, v7;
	v33 =	vmul.f32 v33, v12  }
0x115: {  	[tilespmem:s0+$0xE000] =	vst v24;
	v31 =	vld [tilespmem:s25+$0x2000];
	v34 =	vadd.f32 v34, v9;
	v14 =	vmul.f32 v36, v14;
	v27 =	vadd.f32 v27, v13  }
0x116: {  	[tilespmem:s0+$0xE080] =	vst v25;
	v63 =	vld [tilespmem:s20+$0x1B850];
	v8 =	vmul.f32 v30, v8;
	v7 =	vadd.f32 v7, v10;
	v59 =	vadd.f32 v33, v13  }
0x117: {  	v58 =	vld [tilespmem:s3+$0x2180];
	[tilespmem:s0+$0xE100] =	vst v22;
	v11 =	vmul.f32 v26, v11;
	v14 =	vadd.f32 v14, v15;
	v10 =	vmul.f32 v23, v55  }
0x118: {  	v6 =	vadd.f32 v8, v6;
	v8 =	vmul.f32 v34, v55;
	v15 =	vmul.f32 v59, v17;
	v17 =	vld [tilespmem:s5+$0x2000]  }
0x119: {  	v62 =	vmul.f32 v56, v55;
	v7 =	vmul.f32 v7, v60;
	v10 =	vadd.f32 v10, v57  }
0x11a: {  	[tilespmem:s22+$0xE000] =	vst v14;
	v9 =	vadd.f32 v11, v9;
	v61 =	vmul.f32 v31, v12;
	v8 =	vadd.f32 v8, v57  }
0x11b: {  	v6 =	vmul.f32 v6, v60;
	v7 =	vadd.f32 v7, v63;
	[tilespmem:s24+$0xE000] =	vst v10;
	v10 =	vadd.f32 v62, v57  }
0x11c: {  	v23 =	vadd.f32 v61, v13;
	[tilespmem:s24+$0xE100] =	vst v8;
	v14 =	vadd.f32 v15, v19;
	v15 =	vmul.f32 v58, v12  }
0x11d: {  	v6 =	vadd.f32 v6, v63;
	v8 =	vmul.f32 v9, v60;
	[tilespmem:s24+$0xE080] =	vst v10;
	v10 =	vmul.f32 v17, v12  }
0x11e: {  	[tilespmem:s3+$0xE000] =	vst v7;
	v11 =	vmul.f32 v23, v16;
	v12 =	vadd.f32 v15, v13  }
0x11f: {  	v16 =	vmul.f32 v27, v55;
	[tilespmem:s3+$0xE080] =	vst v6;
	v7 =	vadd.f32 v8, v63;
	v9 =	vadd.f32 v10, v13  }
0x120: {  	[tilespmem:s29+$0xE000] =	vst v14;
	v11 =	vadd.f32 v11, v18;
	v10 =	vmul.f32 v12, v60  }
0x121: {  	v14 =	vadd.f32 v16, v57;
	[tilespmem:s3+$0xE100] =	vst v7;
	v8 =	vmul.f32 v9, v20  }
0x122: {  	[tilespmem:s25+$0xE000] =	vst v11;
	v9 =	vadd.f32 v10, v63  }
0x123: {  	[tilespmem:s24+$0xE180] =	vst v14;
	v6 =	vadd.f32 v8, v21  }
0x124: {  	p0 =	seq.s32 s4, $0x1F;
	[tilespmem:s3+$0xE180] =	vst v9  }
0x125: {  	s0 =	sshll.u32 @!p0 s4, $0x8;
	[tilespmem:s5+$0xE000] =	vst v6  }
0x126: {  	s19 =	sand.u32 @!p0 $0x3FFFFF00, s0;
	[bflag:$0x0] =	sbarrier.arrive $0xFFFF  }
0x127: {  	v6 =	vld.msk @!p0 [tilespmem:s19+$0x100], $0xf;
	_ =	sdelay $0x4  }
0x128: {  	v7 =	vshrl.u32 @!p0 v6, $0x3  }
0x129: {  	v7 =	vmul.u32 @!p0 $0x180, v7  }
0x12a: {  	v8 =	vlaneseq.u32 @!p0;
	v6 =	vand.u32 @!p0 $0x7, v6  }
0x12b: {  	v6 =	vor.u32 @!p0 v6, v7;
	v7 =	vand.u32 @!p0 $0x3, v8;
	v8 =	vshrl.u32 @!p0 v8, $0x2  }
0x12c: {  	v6 =	vperm.xlane @!p0 v6, v7;
	v7 =	vmul.u32 @!p0 $0x8, v8;
	_ =	sdelay $0x1  }
0x12d: {  	v6 =	vadd.s32 @!p0 v7, v6;
	_ =	sdelay $0x3  }
0x12e: {  	vm1 =	vmmov @!p0 $0xffff;
	s1 =	simm.s32 @!p0 $0x2000;
	s0 =	simm.s32 @!p0 $0x0  }
0x12f: {  	[tilespmem:s1], [sflag:$0x1] =	stream.indirect_vreg.gather @!p0 [hbm4b:s14+s0], $0x80, v6, vm1, $0xb8;
	[tilespmem:$0x1D000] =	vst v63  }
0x130: {  	s1 =	simm.s32 @!p0 $0x2800  }
0x131: {  	[tilespmem:s1], [sflag:$0x1] =	stream.indirect_vreg.gather @!p0 [hbm4b:s15+s0], $0x80, v6, vm1, $0xb8;
	[tilespmem:$0x1D000] =	vst v63  }
0x132: {  	s2 =	rddreg [dreg:$0x8];
	s1 =	simm.s32 @!p0 $0x3000  }
0x133: {  	[tilespmem:s1], [sflag:$0x1] =	stream.indirect_vreg.gather @!p0 [hbm4b:s16+s0], $0x80, v6, vm1, $0xb8;
	[tilespmem:$0x1D000] =	vst v63  }
0x134: {  	s20 =	rddreg [dreg:$0x11];
	s1 =	simm.s32 @!p0 $0x3800  }
0x135: {  	[tilespmem:s1], [sflag:$0x1] =	stream.indirect_vreg.gather @!p0 [hbm4b:s2+s0], $0x80, v6, vm1, $0xb8;
	[tilespmem:$0x1D000] =	vst v63  }
0x136: {  	s1 =	simm.s32 @!p0 $0x4000;
	s2 =	rddreg [dreg:$0x9]  }
0x137: {  	[tilespmem:s1], [sflag:$0x1] =	stream.indirect_vreg.gather @!p0 [hbm4b:s2+s0], $0x80, v6, vm1, $0xb8;
	[tilespmem:$0x1D000] =	vst v63  }
0x138: {  	s1 =	simm.s32 @!p0 $0x4800;
	s2 =	rddreg [dreg:$0xa]  }
0x139: {  	[tilespmem:s1], [sflag:$0x1] =	stream.indirect_vreg.gather @!p0 [hbm4b:s2+s0], $0x80, v6, vm1, $0xb8;
	[tilespmem:$0x1D000] =	vst v63  }
0x13a: {  	s1 =	simm.s32 @!p0 $0x5000;
	s2 =	rddreg [dreg:$0xb]  }
0x13b: {  	[tilespmem:s1], [sflag:$0x1] =	stream.indirect_vreg.gather @!p0 [hbm4b:s2+s0], $0x80, v6, vm1, $0xb8;
	[tilespmem:$0x1D000] =	vst v63  }
0x13c: {  	s1 =	simm.s32 @!p0 $0x5800;
	s2 =	rddreg [dreg:$0xc]  }
0x13d: {  	[tilespmem:s1], [sflag:$0x1] =	stream.indirect_vreg.gather @!p0 [hbm4b:s2+s0], $0x80, v6, vm1, $0xb8;
	[tilespmem:$0x1D000] =	vst v63  }
0x13e: {  	s1 =	simm.s32 @!p0 $0x6000;
	s2 =	rddreg [dreg:$0xd]  }
0x13f: {  	[tilespmem:s1], [sflag:$0x1] =	stream.indirect_vreg.gather @!p0 [hbm4b:s2+s0], $0x80, v6, vm1, $0xb8;
	[tilespmem:$0x1D000] =	vst v63  }
0x140: {  	s1 =	simm.s32 @!p0 $0x6800;
	s2 =	rddreg [dreg:$0xe]  }
0x141: {  	[tilespmem:s1], [sflag:$0x1] =	stream.indirect_vreg.gather @!p0 [hbm4b:s2+s0], $0x80, v6, vm1, $0xb8;
	[tilespmem:$0x1D000] =	vst v63  }
0x142: {  	s23 =	simm.s32 $0x400;
	s1 =	simm.s32 @!p0 $0x7000;
	s2 =	rddreg [dreg:$0xf]  }
0x143: {  	[tilespmem:s1], [sflag:$0x1] =	stream.indirect_vreg.gather @!p0 [hbm4b:s2+s0], $0x80, v6, vm1, $0xb8;
	[tilespmem:$0x1D000] =	vst v63  }
0x144: {  	s22 =	simm.s32 $0x200;
	s21 =	rddreg [dreg:$0x4];
	s1 =	sadd.s32 s20, s4  }
0x145: {  	s2 =	simm.s32 @!p0 $0x7800;
	s20 =	smul.u32 $0x1800, s1;
	s1 =	rddreg [dreg:$0x10]  }
0x146: {  	[tilespmem:s2], [sflag:$0x1] =	stream.indirect_vreg.gather @!p0 [hbm4b:s1+s0], $0x80, v6, vm1, $0xb8;
	[tilespmem:$0x1D000] =	vst v63  }
0x147: {  	s24 =	simm.s32 $0xE000;
	s25 =	simm.s32 $0x2;
	s0 =	sadd.s32 s21, s20  }
0x148: {  	[hbm4b:s0+s22] =	stream.strided.scatter [tilespmem:s24], [sflag:$0x3], $0x6000, s23, s22, $0x38;
	[tilespmem:$0x1D000] =	vst v63  }
0x149: {  	_ =	swait.ge [sflag:s25], $0x6000  }
0x14a: {  	[sflag:s25] =	ssyncset.done $0x0  }
0x14b: {  	s0 =	simm.s32 @!p1 $0x4;
	[sflag:s25] =	ssyncadd.s32 $0xFFFFA000  }
0x14c: {  	s26 =	simm.s32 $0x0;
	_ =	swait.ge @!p1 [sflag:s0], $0x6000  }
0x14d: {  	s28 =	sand.u32 $0x70, s26;
	s1 =	sand.u32 $0x7E00, s26;
	[sflag:s0] =	ssyncset.done @!p1 $0x0  }
0x14e: {  	s29 =	sor.u32 s28, s1;
	[sflag:s0] =	ssyncadd.s32 @!p1 $0xFFFFA000  }
0x14f: {  	v6 =	vld [tilespmem:s29+$0x8180]  }
0x150: {  	v10 =	vld [tilespmem:s29+$0x8000]  }
0x151: {  	v12 =	vld [tilespmem:s29+$0x8080]  }
0x152: {  	v17 =	vld [tilespmem:s29+$0x8100]  }
0x153: {  	s30 =	simm.s32 $0x10;
	s0 =	simm.s32 $0x40  }
0x154: {  	v9 =	vimm.f32 $0.0e+00;
	s1 =	sand.u32 $0x70, s30;
	s31 =	sand.u32 $0x7E00, s0  }
0x155: {  	s1 =	sor.u32 s1, s31;
	v8 =	vadd.f32 v6, v9;
	v6 =	vmul.f32 v6, v6  }
0x156: {  	v7 =	vld [tilespmem:s1+$0x8180];
	v13 =	vmul.f32 v10, v10;
	v14 =	vadd.f32 v10, v9;
	v11 =	vadd.f32 v12, v9  }
0x157: {  	v15 =	vld [tilespmem:s1+$0x8000];
	v18 =	vmul.f32 v12, v12;
	v10 =	vadd.f32 v17, v9;
	v17 =	vmul.f32 v17, v17  }
0x158: {  	s17 =	smov.u32 s14;
	s18 =	smov.u32 s15;
	s2 =	simm.s32 $0x20;
	v12 =	vimm.f32 $0.0e+00;
	v6 =	vadd.f32 v6, v9;
	v16 =	vadd.f32 v13, v9;
	v13 =	vld [tilespmem:s1+$0x8080]  }
.LBB2_7:
0x159: {  	s3 =	sand.u32 $0x70, s2;
	v19 =	vld [tilespmem:s1+$0x8100];
	s0 =	sadd.s32 $0x40, s0;
	v9 =	vadd.f32 v18, v9;
	p1 =	sne.s32 s2, $0x17F0  }
.Ltmp2:
0x15a: {  	s2 =	sadd.s32 $0x10, s2;
	s1 =	sand.u32 $0x7E00, s0;
	v12 =	vadd.f32 v17, v12;
	(pc) =	sbr.rel @p1 .LBB2_7-.Ltmp2, $4  }
0x15b: {  	s1 =	sor.u32 s3, s1;
	v8 =	vadd.f32 v7, v8;
	v17 =	vmul.f32 v7, v7  }
0x15c: {  	v7 =	vld [tilespmem:s1+$0x8180];
	v14 =	vadd.f32 v15, v14;
	v20 =	vmul.f32 v15, v15  }
0x15d: {  	v15 =	vld [tilespmem:s1+$0x8000];
	v11 =	vadd.f32 v13, v11;
	v18 =	vmul.f32 v13, v13;
	v6 =	vadd.f32 v17, v6  }
0x15e: {  	v13 =	vld [tilespmem:s1+$0x8080];
	v16 =	vadd.f32 v20, v16;
	v10 =	vadd.f32 v19, v10;
	v17 =	vmul.f32 v19, v19  }
0x15f: {  	_ =	sdelay $0x2  }
0x160: {  	v19 =	vmul.f32 v15, v15;
	_ =	sdelay $0x1  }
0x161: {  	v14 =	vadd.f32 v15, v14;
	v15 =	vadd.f32 v19, v16;
	_ =	sdelay $0x1  }
0x162: {  	v16 =	vperm.xlane v14, v2;
	v19 =	vperm.xlane v15, v2;
	_ =	sdelay $0x1  }
0x163: {  	v14 =	vadd.f32 v16, v14;
	v15 =	vadd.f32 v19, v15;
	_ =	sdelay $0x1  }
0x164: {  	v16 =	vperm.xlane v14, v3;
	v19 =	vperm.xlane v15, v3  }
0x165: {  	v9 =	vadd.f32 v18, v9  }
0x166: {  	v18 =	vld [tilespmem:s1+$0x8100];
	v20 =	vmul.f32 v13, v13;
	v14 =	vadd.f32 v16, v14;
	v15 =	vadd.f32 v19, v15  }
0x167: {  	v11 =	vadd.f32 v13, v11  }
0x168: {  	v9 =	vadd.f32 v20, v9;
	v13 =	vperm.xlane v14, v4;
	v16 =	vperm.xlane v15, v4  }
0x169: {  	v12 =	vadd.f32 v17, v12;
	v17 =	vperm.xlane v11, v2  }
0x16a: {  	v13 =	vadd.f32 v13, v14;
	v14 =	vadd.f32 v16, v15;
	v15 =	vperm.xlane v9, v2  }
0x16b: {  	v10 =	vadd.f32 v18, v10;
	v11 =	vadd.f32 v17, v11;
	v16 =	vmul.f32 v18, v18  }
0x16c: {  	v17 =	vperm.xlane v13, v5;
	v18 =	vperm.xlane v14, v5;
	v9 =	vadd.f32 v15, v9  }
0x16d: {  	v12 =	vadd.f32 v16, v12;
	v15 =	vperm.xlane v11, v3;
	v16 =	vperm.xlane v10, v2  }
0x16e: {  	v13 =	vadd.f32 v17, v13;
	v14 =	vadd.f32 v18, v14;
	v17 =	vperm.xlane v9, v3  }
0x16f: {  	v11 =	vadd.f32 v15, v11;
	v10 =	vadd.f32 v16, v10;
	v15 =	vperm.xlane v12, v2  }
0x170: {  	v13 =	vmul.f32 $1.627604220e-04, v13;
	v14 =	vmul.f32 $1.627604220e-04, v14;
	v9 =	vadd.f32 v17, v9  }
0x171: {  	v16 =	vperm.xlane v11, v4;
	v12 =	vadd.f32 v15, v12;
	v15 =	vperm.xlane v10, v3  }
0x172: {  	v8 =	vadd.f32 v7, v8;
	v17 =	vmul.f32 v13, v13;
	v18 =	vperm.xlane v9, v4  }
0x173: {  	v11 =	vadd.f32 v16, v11;
	v10 =	vadd.f32 v15, v10;
	v15 =	vperm.xlane v12, v3  }
0x174: {  	v7 =	vmul.f32 v7, v7;
	v14 =	vsub.f32 v14, v17;
	v9 =	vadd.f32 v18, v9  }
0x175: {  	v16 =	vperm.xlane v11, v5;
	v12 =	vadd.f32 v15, v12;
	v15 =	vperm.xlane v10, v4  }
0x176: {  	v6 =	vadd.f32 v7, v6;
	v14 =	vadd.f32 $9.999999740e-06, v14;
	v17 =	vperm.xlane v9, v5  }
0x177: {  	v11 =	vadd.f32 v16, v11;
	v10 =	vadd.f32 v15, v10;
	v15 =	vperm.xlane v12, v4  }
0x178: {  	v7 =	vshrl.u32 v14, $0x1;
	v16 =	vperm.xlane v8, v2;
	v9 =	vadd.f32 v17, v9  }
0x179: {  	v11 =	vmul.f32 $1.627604220e-04, v11;
	v12 =	vadd.f32 v15, v12;
	v15 =	vperm.xlane v10, v5  }
0x17a: {  	v8 =	vadd.f32 v16, v8;
	v16 =	vperm.xlane v6, v2;
	v9 =	vmul.f32 $1.627604220e-04, v9  }
0x17b: {  	v17 =	vmul.f32 v11, v11;
	v10 =	vadd.f32 v15, v10;
	v15 =	vperm.xlane v12, v5  }
0x17c: {  	v14 =	vmul.f32 $5.000000000e-01, v14;
	v6 =	vadd.f32 v16, v6;
	v16 =	vperm.xlane v8, v3  }
0x17d: {  	v7 =	vsub.s32 $0x5F3759DF, v7;
	v9 =	vsub.f32 v9, v17;
	v12 =	vadd.f32 v15, v12  }
0x17e: {  	v10 =	vmul.f32 $1.627604220e-04, v10;
	v15 =	vmul.f32 v7, v14;
	v8 =	vadd.f32 v16, v8  }
0x17f: {  	v16 =	vperm.xlane v6, v3;
	v9 =	vadd.f32 $9.999999740e-06, v9;
	v12 =	vmul.f32 $1.627604220e-04, v12  }
0x180: {  	v17 =	vmul.f32 v10, v10;
	v15 =	vmul.f32 v7, v15  }
0x181: {  	v6 =	vadd.f32 v16, v6;
	v16 =	vperm.xlane v8, v4;
	v18 =	vshrl.u32 v9, $0x1  }
0x182: {  	v9 =	vmul.f32 $5.000000000e-01, v9;
	v12 =	vsub.f32 v12, v17;
	v15 =	vsub.f32 $1.500000000e+00, v15  }
0x183: {  	v8 =	vadd.f32 v16, v8;
	v16 =	vperm.xlane v6, v4;
	v17 =	vsub.s32 $0x5F3759DF, v18  }
0x184: {  	v18 =	vmul.f32 v17, v9;
	v12 =	vadd.f32 $9.999999740e-06, v12  }
0x185: {  	v6 =	vadd.f32 v16, v6;
	v16 =	vperm.xlane v8, v5;
	v7 =	vmul.f32 v7, v15  }
0x186: {  	v18 =	vmul.f32 v17, v18;
	v19 =	vshrl.u32 v12, $0x1;
	v12 =	vmul.f32 $5.000000000e-01, v12  }
0x187: {  	v8 =	vadd.f32 v16, v8;
	v15 =	vperm.xlane v6, v5;
	v19 =	vsub.s32 $0x5F3759DF, v19  }
0x188: {  	v18 =	vsub.f32 $1.500000000e+00, v18;
	v20 =	vmul.f32 v19, v12  }
0x189: {  	v6 =	vadd.f32 v15, v6;
	v15 =	vmul.f32 $1.627604220e-04, v8;
	v8 =	vmul.f32 v7, v14  }
0x18a: {  	v16 =	vmul.f32 v17, v18;
	v17 =	vmul.f32 v19, v20  }
0x18b: {  	s0 =	simm.s32 $0x40;
	s11 =	simm.s32 $0x100  }
0x18c: {  	s7 =	simm.s32 $0x20;
	s0 =	sand.u32 $0x60, s0;
	s1 =	sand.u32 $0xFE00, s11;
	v6 =	vmul.f32 $1.627604220e-04, v6;
	v8 =	vmul.f32 v8, v7;
	v14 =	vsub.f32 $1.500000000e+00, v17  }
0x18d: {  	s9 =	simm.s32 $0x80;
	s2 =	sor.u32 s0, s1;
	s0 =	simm.s32 $0x0;
	v9 =	vmul.f32 v16, v9;
	v17 =	vmul.f32 v15, v15  }
0x18e: {  	s7 =	sand.u32 $0x60, s7;
	s9 =	sand.u32 $0xFE00, s9;
	v22 =	vld [tilespmem:s0+$0x1A040];
	v8 =	vsub.f32 $1.500000000e+00, v8;
	v14 =	vmul.f32 v19, v14  }
0x18f: {  	s7 =	sor.u32 s7, s9;
	v23 =	vld [tilespmem:s0+$0x1B840];
	v9 =	vmul.f32 v9, v16;
	v6 =	vsub.f32 v6, v17  }
0x190: {  	v24 =	vld [tilespmem:s7+$0x8000];
	v7 =	vmul.f32 v8, v7;
	v8 =	vsub.f32 $0.0e+00, v13;
	v12 =	vmul.f32 v14, v12  }
0x191: {  	v13 =	vld [tilespmem:s2+$0x8000];
	v9 =	vsub.f32 $1.500000000e+00, v9;
	v17 =	vadd.f32 $9.999999740e-06, v6  }
0x192: {  	v25 =	vld [tilespmem:s7+$0x8080];
	v12 =	vmul.f32 v12, v14  }
0x193: {  	s3 =	simm.s32 $0x0;
	v6 =	vmul.f32 v9, v16;
	v9 =	vshrl.u32 v17, $0x1;
	v16 =	vmul.f32 $5.000000000e-01, v17;
	v17 =	vld [tilespmem:s2+$0x8080]  }
0x194: {  	s12 =	sand.u32 $0x60, s3;
	s8 =	sand.u32 $0x7E00, s3;
	v11 =	vsub.f32 $0.0e+00, v11;
	v19 =	vld [tilespmem:s2+$0x8100];
	v18 =	vsub.s32 $0x5F3759DF, v9  }
0x195: {  	s1 =	sor.u32 s12, s8;
	v26 =	vld [tilespmem:s7+$0x8100];
	v9 =	vmul.f32 v7, v8;
	v12 =	vsub.f32 $1.500000000e+00, v12;
	v20 =	vmul.f32 v18, v16  }
0x196: {  	v27 =	vld [tilespmem:s1+$0x8000];
	v13 =	vmul.f32 v13, v7;
	v8 =	vmul.f32 v6, v11  }
0x197: {  	s6 =	sor.u32 $0x10, s12;
	v28 =	vld [tilespmem:s1+$0x8080];
	v10 =	vsub.f32 $0.0e+00, v10;
	v11 =	vmul.f32 v12, v14;
	v12 =	vmul.f32 v18, v20  }
0x198: {  	s5 =	sor.u32 s8, s6;
	v29 =	vld [tilespmem:s1+$0x8100];
	v13 =	vadd.f32 v13, v9;
	v14 =	vmul.f32 v17, v6  }
0x199: {  	v17 =	vld [tilespmem:s5+$0x8100];
	v10 =	vmul.f32 v11, v10;
	v12 =	vsub.f32 $1.500000000e+00, v12;
	v19 =	vmul.f32 v19, v11  }
0x19a: {  	v56 =	vld [tilespmem:s0+$0x1B830];
	v13 =	vmul.f32 v13, v22  }
0x19b: {  	v37 =	vld [tilespmem:s0+$0x1B850];
	v14 =	vadd.f32 v14, v8;
	v12 =	vmul.f32 v18, v12;
	v18 =	vadd.f32 v19, v10  }
0x19c: {  	s14 =	sand.u32 $0x1F80, s3;
	v20 =	vld [tilespmem:s5+$0x8080]  }
0x19d: {  	s6 =	sor.u32 s14, s6;
	v21 =	vld [tilespmem:s5+$0x8000];
	v13 =	vadd.f32 v13, v23;
	v14 =	vmul.f32 v14, v22;
	v18 =	vmul.f32 v18, v22  }
0x19e: {  	v19 =	vld [tilespmem:s6+$0x1A000];
	v16 =	vmul.f32 v12, v16;
	v17 =	vmul.f32 v17, v11  }
0x19f: {  	s16 =	simm.s32 $0x30;
	s21 =	simm.s32 $0xC0;
	[tilespmem:s2+$0x14000] =	vst v13;
	v14 =	vadd.f32 v14, v23;
	v13 =	vadd.f32 v18, v23;
	v18 =	vld [tilespmem:s6+$0x1B800]  }
0x1a0: {  	s13 =	simm.s32 $0x2;
	s22 =	sand.u32 $0x70, s16;
	s23 =	sand.u32 $0xFE00, s21;
	v24 =	vmul.f32 v24, v7;
	v16 =	vmul.f32 v16, v12;
	v31 =	vadd.f32 v17, v10;
	v17 =	vld [tilespmem:s0+$0x1B820]  }
0x1a1: {  	s8 =	sand.u32 $0x3, s13;
	v27 =	vmul.f32 v27, v7;
	v20 =	vmul.f32 v20, v6;
	s6 =	sor.u32 s22, s23;
	[tilespmem:s2+$0x14080] =	vst v14;
	v14 =	vld [tilespmem:s0+$0x1A000]  }
0x1a2: {  	s8 =	sshll.u32 s8, $0x5;
	v25 =	vmul.f32 v25, v6;
	v28 =	vmul.f32 v28, v6;
	v32 =	vld [tilespmem:s6+$0x8000];
	v16 =	vsub.f32 $1.500000000e+00, v16  }
0x1a3: {  	s8 =	sadd.s32 $0x100, s8;
	v20 =	vadd.f32 v20, v8;
	v33 =	vld [tilespmem:s6+$0x8080];
	[tilespmem:s2+$0x14100] =	vst v13;
	v13 =	vsub.f32 $0.0e+00, v15;
	v15 =	vmul.f32 v21, v7  }
0x1a4: {  	s15 =	sor.u32 $0x180, s8;
	v24 =	vadd.f32 v24, v9;
	v27 =	vadd.f32 v27, v9;
	v12 =	vmul.f32 v16, v12;
	v16 =	vld [tilespmem:s0+$0x1A020]  }
0x1a5: {  	v25 =	vadd.f32 v25, v8;
	v20 =	vmul.f32 v20, v19;
	v30 =	vld [tilespmem:s15+$0x8000];
	v21 =	vadd.f32 v15, v9  }
0x1a6: {  	s24 =	simm.s32 $0x50;
	s25 =	simm.s32 $0x140;
	v28 =	vadd.f32 v28, v8;
	v26 =	vmul.f32 v26, v11;
	v34 =	vld [tilespmem:s6+$0x8100];
	v31 =	vmul.f32 v31, v19  }
0x1a7: {  	s3 =	sand.u32 $0x3, s3;
	s9 =	sand.u32 $0xFE00, s25;
	s8 =	sand.u32 $0x70, s24;
	v29 =	vmul.f32 v29, v11;
	v35 =	vld [tilespmem:s6+$0x8180];
	v20 =	vadd.f32 v20, v18;
	v21 =	vmul.f32 v21, v19  }
0x1a8: {  	s3 =	sshll.u32 s3, $0x5;
	v26 =	vadd.f32 v26, v10;
	s22 =	sor.u32 s8, s9;
	v15 =	vld [tilespmem:s0+$0x1B800];
	v31 =	vadd.f32 v31, v18;
	v13 =	vmul.f32 v12, v13  }
0x1a9: {  	s3 =	sadd.s32 $0x0, s3;
	v27 =	vmul.f32 v27, v14;
	[tilespmem:s5+$0x14080] =	vst v20;
	v20 =	vld [tilespmem:s22+$0x8080];
	v21 =	vadd.f32 v21, v18;
	v24 =	vmul.f32 v24, v16  }
0x1aa: {  	s26 =	sadd.s32 $0x10, s3;
	v29 =	vadd.f32 v29, v10;
	[tilespmem:s5+$0x14100] =	vst v31;
	v31 =	vld [tilespmem:s22+$0x8100];
	v30 =	vmul.f32 v30, v12;
	v25 =	vmul.f32 v25, v16  }
0x1ab: {  	s30 =	simm.s32 $0x1;
	s23 =	sor.u32 $0x180, s26;
	v28 =	vmul.f32 v28, v14;
	v26 =	vmul.f32 v26, v16;
	[tilespmem:s5+$0x14000] =	vst v21;
	v21 =	vld [tilespmem:s22+$0x8000];
	v24 =	vadd.f32 v24, v17  }
0x1ac: {  	s9 =	sand.u32 $0x3, s30;
	v29 =	vmul.f32 v29, v14;
	v30 =	vadd.f32 v30, v13;
	v25 =	vadd.f32 v25, v17;
	v36 =	vld [tilespmem:s23+$0x8000]  }
0x1ad: {  	v55 =	vmul.f32 v35, v12;
	v27 =	vadd.f32 v27, v15;
	s5 =	sshll.u32 s9, $0x5;
	v26 =	vadd.f32 v26, v17;
	[tilespmem:s7+$0x14000] =	vst v24;
	v24 =	vld [tilespmem:s22+$0x8180]  }
0x1ae: {  	s10 =	simm.s32 $0xA0;
	s11 =	simm.s32 $0x280;
	v28 =	vadd.f32 v28, v15;
	s5 =	sadd.s32 $0x80, s5;
	v22 =	vmul.f32 v30, v22;
	v30 =	vmul.f32 v32, v7;
	[tilespmem:s7+$0x14080] =	vst v25;
	v25 =	vld [tilespmem:s0+$0x1A030]  }
0x1af: {  	s12 =	sand.u32 $0xFE00, s11;
	v29 =	vadd.f32 v29, v15;
	s26 =	sor.u32 $0x180, s5;
	s5 =	sand.u32 $0x60, s10;
	v20 =	vmul.f32 v20, v6;
	v31 =	vmul.f32 v31, v11;
	[tilespmem:s7+$0x14100] =	vst v26;
	v26 =	vld [tilespmem:s0+$0x1A050]  }
0x1b0: {  	s8 =	sor.u32 s5, s12;
	v53 =	vadd.f32 v22, v23;
	v22 =	vmul.f32 v33, v6;
	v23 =	vmul.f32 v34, v11;
	v54 =	vld [tilespmem:s26+$0x8000]  }
0x1b1: {  	s14 =	simm.s32 $0x80;
	s24 =	simm.s32 $0x180;
	s12 =	simm.s32 $0x200;
	v30 =	vadd.f32 v30, v9;
	v34 =	vadd.f32 v55, v13;
	v38 =	vld [tilespmem:s8+$0x8000];
	v21 =	vmul.f32 v21, v7  }
0x1b2: {  	s7 =	simm.s32 $0x60;
	s5 =	sand.u32 $0x60, s14;
	v39 =	vld [tilespmem:s8+$0x8080];
	s12 =	sand.u32 $0xFE00, s12;
	v22 =	vadd.f32 v22, v8;
	v23 =	vadd.f32 v23, v10;
	v36 =	vmul.f32 v36, v12  }
0x1b3: {  	s11 =	sand.u32 $0x7E00, s24;
	s10 =	sand.u32 $0x60, s7;
	v41 =	vld [tilespmem:s8+$0x8100];
	v20 =	vadd.f32 v20, v8;
	s5 =	sor.u32 s5, s12;
	v24 =	vmul.f32 v24, v12;
	v30 =	vmul.f32 v30, v25  }
0x1b4: {  	v31 =	vadd.f32 v31, v10;
	s2 =	sor.u32 s10, s11;
	v61 =	vld [tilespmem:s5+$0x8100];
	v40 =	vmul.f32 v22, v25;
	v42 =	vmul.f32 v23, v25  }
0x1b5: {  	s0 =	simm.s32 $0x60;
	s13 =	sor.u32 $0x10, s10;
	v62 =	vld [tilespmem:s2+$0x8000];
	v21 =	vadd.f32 v21, v9;
	v25 =	vmul.f32 v34, v25;
	v20 =	vmul.f32 v20, v26  }
0x1b6: {  	s21 =	sor.u32 s11, s13;
	v36 =	vadd.f32 v36, v13;
	v23 =	vld [tilespmem:s0+$0x1A040];
	v31 =	vmul.f32 v31, v26;
	v33 =	vmul.f32 v54, v12  }
0x1b7: {  	v43 =	vld [tilespmem:s21+$0x8100];
	v21 =	vmul.f32 v21, v26;
	v38 =	vmul.f32 v38, v7;
	v24 =	vadd.f32 v24, v13  }
0x1b8: {  	[tilespmem:s1+$0x14000] =	vst v27;
	v22 =	vld [tilespmem:s0+$0x1B840];
	v39 =	vmul.f32 v39, v6;
	v30 =	vadd.f32 v30, v56;
	v27 =	vadd.f32 v40, v56  }
0x1b9: {  	[tilespmem:s1+$0x14080] =	vst v28;
	v63 =	vld [tilespmem:s2+$0x8080];
	v41 =	vmul.f32 v41, v11;
	v28 =	vadd.f32 v42, v56;
	v38 =	vadd.f32 v38, v9  }
0x1ba: {  	v46 =	vld [tilespmem:s2+$0x8100];
	v19 =	vmul.f32 v36, v19;
	v49 =	vadd.f32 v20, v37;
	v39 =	vadd.f32 v39, v8  }
0x1bb: {  	v58 =	vld [tilespmem:s21+$0x8080];
	v33 =	vadd.f32 v33, v13;
	v60 =	vadd.f32 v41, v10;
	v59 =	vmul.f32 v38, v23  }
0x1bc: {  	[tilespmem:s1+$0x14100] =	vst v29;
	v57 =	vld [tilespmem:s21+$0x8000];
	v48 =	vadd.f32 v21, v37;
	v24 =	vmul.f32 v24, v26;
	v39 =	vmul.f32 v39, v23  }
0x1bd: {  	s25 =	simm.s32 $0x5;
	[tilespmem:s15+$0x14000] =	vst v53;
	v26 =	vld [tilespmem:s5+$0x8000];
	v21 =	vmul.f32 v43, v11;
	v38 =	vmul.f32 v60, v23;
	v32 =	vadd.f32 v59, v22  }
0x1be: {  	s16 =	sand.u32 $0x3, s25;
	s15 =	sand.u32 $0x1F80, s7;
	v18 =	vadd.f32 v19, v18;
	v19 =	vld [tilespmem:s5+$0x8080];
	[tilespmem:s6+$0x14000] =	vst v30;
	v16 =	vmul.f32 v33, v16;
	v44 =	vadd.f32 v39, v22  }
0x1bf: {  	s30 =	sshll.u32 s16, $0x5;
	s1 =	sor.u32 s15, s13;
	v20 =	vld [tilespmem:s0+$0x1A000];
	v30 =	vadd.f32 v21, v10;
	v21 =	vmul.f32 v62, v7;
	v47 =	vadd.f32 v38, v22;
	[tilespmem:s8+$0x14000] =	vst v32  }
0x1c0: {  	s9 =	sadd.s32 $0x280, s30;
	v25 =	vadd.f32 v25, v56;
	v45 =	vadd.f32 v16, v17;
	v17 =	vmul.f32 v58, v6;
	v16 =	vld [tilespmem:s1+$0x1A000];
	[tilespmem:s8+$0x14080] =	vst v44  }
0x1c1: {  	v52 =	vmul.f32 v63, v6;
	v29 =	vmul.f32 v57, v7;
	v53 =	vadd.f32 v21, v9;
	v21 =	vld [tilespmem:s0+$0x1B800];
	[tilespmem:s8+$0x14100] =	vst v47;
	s8 =	sor.u32 $0x180, s9  }
0x1c2: {  	[tilespmem:s6+$0x14080] =	vst v27;
	v50 =	vadd.f32 v17, v8;
	v17 =	vmul.f32 v26, v7;
	v26 =	vadd.f32 v31, v37;
	v31 =	vld [tilespmem:s8+$0x8000]  }
0x1c3: {  	v27 =	vmul.f32 v61, v11;
	v33 =	vadd.f32 v52, v8;
	[tilespmem:s23+$0x14000] =	vst v18;
	v18 =	vmul.f32 v19, v6;
	v19 =	vld [tilespmem:s1+$0x1B800];
	s1 =	sor.u32 $0x180, s3  }
0x1c4: {  	v29 =	vadd.f32 v29, v9;
	v24 =	vadd.f32 v24, v37;
	v32 =	vmul.f32 v46, v11;
	v55 =	vld [tilespmem:s1+$0x8000]  }
0x1c5: {  	s10 =	simm.s32 $0x90;
	s11 =	simm.s32 $0x240;
	[tilespmem:s6+$0x14100] =	vst v28;
	v27 =	vadd.f32 v27, v10;
	v51 =	vadd.f32 v17, v9;
	v17 =	vld [tilespmem:s0+$0x1A020]  }
0x1c6: {  	s12 =	sand.u32 $0x70, s10;
	s13 =	sand.u32 $0xFE00, s11;
	[tilespmem:s6+$0x14180] =	vst v25;
	v34 =	vmul.f32 v53, v20;
	v25 =	vadd.f32 v32, v10;
	v29 =	vmul.f32 v29, v16  }
0x1c7: {  	[tilespmem:s22+$0x14080] =	vst v49;
	s3 =	sor.u32 s12, s13;
	v28 =	vadd.f32 v18, v8;
	v18 =	vld [tilespmem:s0+$0x1B820];
	v54 =	vmul.f32 v50, v16;
	v31 =	vmul.f32 v31, v12  }
0x1c8: {  	[tilespmem:s22+$0x14180] =	vst v24;
	v57 =	vld [tilespmem:s3+$0x8000];
	v30 =	vmul.f32 v30, v16;
	v58 =	vmul.f32 v25, v20;
	v24 =	vadd.f32 v34, v21  }
0x1c9: {  	s31 =	simm.s32 $0x3;
	s14 =	simm.s32 $0xB0;
	s15 =	simm.s32 $0x2C0;
	[tilespmem:s22+$0x14000] =	vst v48;
	v59 =	vld [tilespmem:s3+$0x8080];
	v37 =	vadd.f32 v54, v19;
	v39 =	vmul.f32 v55, v12;
	v25 =	vadd.f32 v31, v13  }
0x1ca: {  	s16 =	sand.u32 $0x3, s31;
	s6 =	sand.u32 $0x70, s14;
	s9 =	sand.u32 $0xFE00, s15;
	v60 =	vld [tilespmem:s3+$0x8100];
	[tilespmem:s22+$0x14100] =	vst v26;
	v56 =	vmul.f32 v51, v17;
	v26 =	vmul.f32 v27, v17;
	v27 =	vadd.f32 v29, v19  }
0x1cb: {  	s10 =	sshll.u32 s16, $0x5;
	s23 =	simm.s32 $0x4;
	[tilespmem:s26+$0x14000] =	vst v45;
	s6 =	sor.u32 s6, s9;
	v61 =	vadd.f32 v30, v19;
	v28 =	vmul.f32 v28, v17;
	v29 =	vld [tilespmem:s3+$0x8180];
	v23 =	vmul.f32 v25, v23  }
0x1cc: {  	s10 =	sadd.s32 $0x180, s10;
	v33 =	vmul.f32 v33, v20;
	s26 =	sand.u32 $0x3, s23;
	v35 =	vadd.f32 v39, v13;
	v31 =	vadd.f32 v56, v18;
	[tilespmem:s21+$0x14000] =	vst v27;
	v27 =	vld [tilespmem:s6+$0x8000]  }
0x1cd: {  	s30 =	sadd.s32 $0x10, s10;
	s9 =	sshll.u32 s26, $0x5;
	v62 =	vmul.f32 v57, v7;
	[tilespmem:s21+$0x14080] =	vst v37;
	v32 =	vadd.f32 v28, v18;
	v28 =	vld [tilespmem:s6+$0x8080];
	v63 =	vadd.f32 v23, v22  }
0x1ce: {  	s28 =	simm.s32 $0x7;
	s9 =	sadd.s32 $0x200, s9;
	s22 =	sor.u32 $0x180, s30;
	v36 =	vmul.f32 v59, v6;
	[tilespmem:s21+$0x14100] =	vst v61;
	v30 =	vadd.f32 v26, v18;
	v26 =	vld [tilespmem:s6+$0x8100];
	v25 =	vadd.f32 v33, v21  }
0x1cf: {  	s29 =	sor.u32 $0x180, s10;
	s26 =	simm.s32 $0x6;
	s23 =	sor.u32 $0x180, s9;
	v34 =	vmul.f32 v60, v11;
	v33 =	vld [tilespmem:s22+$0x8000];
	v23 =	vadd.f32 v58, v21;
	v22 =	vadd.f32 v62, v9;
	[tilespmem:s8+$0x14000] =	vst v63  }
.LBB2_9:
0x1d0: {  	s8 =	sand.u32 $0x3, s28;
	[tilespmem:s5+$0x14000] =	vst v31;
	v31 =	vadd.f32 v36, v8;
	v29 =	vmul.f32 v29, v12;
	v36 =	vld [tilespmem:s6+$0x8180];
	s31 =	sadd.s32 $0x3, s31  }
0x1d1: {  	s9 =	sand.u32 $0x3, s31;
	s10 =	sshll.u32 s8, $0x5;
	[tilespmem:s5+$0x14080] =	vst v32;
	v32 =	vld [tilespmem:s0+$0x1A030];
	v34 =	vadd.f32 v34, v10;
	v27 =	vmul.f32 v27, v7;
	v35 =	vmul.f32 v35, v14  }
0x1d2: {  	s24 =	sadd.s32 $0x180, s24;
	s7 =	sadd.s32 $0x60, s7;
	v14 =	vmov v20;
	s9 =	sshll.u32 s9, $0x5;
	[tilespmem:s5+$0x14100] =	vst v30;
	v29 =	vadd.f32 v29, v13;
	v30 =	vld [tilespmem:s0+$0x1A050];
	v28 =	vmul.f32 v28, v6  }
0x1d3: {  	s8 =	sadd.s32 $0x40, s7;
	s30 =	sadd.s32 $0x100, s24;
	s5 =	sand.u32 $0x60, s7;
	[tilespmem:s2+$0x14000] =	vst v24;
	v20 =	vld [tilespmem:s23+$0x8000];
	v24 =	vadd.f32 v27, v9;
	v26 =	vmul.f32 v26, v11;
	v27 =	vadd.f32 v35, v15  }
0x1d4: {  	s11 =	sadd.s32 $0x20, s7;
	s8 =	sand.u32 $0x60, s8;
	s12 =	sand.u32 $0xFE00, s30;
	v15 =	vmov v21;
	[tilespmem:s2+$0x14080] =	vst v25;
	v25 =	vmul.f32 v33, v12;
	v33 =	vld [tilespmem:s0+$0x1B830];
	v28 =	vadd.f32 v28, v8  }
0x1d5: {  	s26 =	sadd.s32 $0x6, s26;
	s13 =	sadd.s32 $0x80, s24;
	s8 =	sor.u32 s8, s12;
	[tilespmem:s2+$0x14100] =	vst v23;
	v21 =	vld [tilespmem:s0+$0x1B850];
	v23 =	vadd.f32 v26, v10;
	v26 =	vmul.f32 v36, v12  }
0x1d6: {  	p1 =	slt.u32 s26, $0x17A;
	s12 =	sor.u32 $0x10, s5;
	s0 =	sand.u32 $0x60, s11;
	v35 =	vld [tilespmem:s8+$0x8000];
	v25 =	vadd.f32 v25, v13;
	v22 =	vmul.f32 v22, v32;
	v31 =	vmul.f32 v31, v32;
	[tilespmem:s1+$0x14000] =	vst v27  }
0x1d7: {  	s14 =	sand.u32 $0xFE00, s13;
	s11 =	sand.u32 $0x1F80, s7;
	s1 =	sand.u32 $0x7E00, s24;
	v34 =	vmul.f32 v34, v32;
	v29 =	vmul.f32 v29, v32;
	v27 =	vld [tilespmem:s8+$0x8080];
	v26 =	vadd.f32 v26, v13  }
0x1d8: {  	s2 =	sor.u32 s5, s1;
	s21 =	sor.u32 s1, s12;
	s5 =	sor.u32 s0, s14;
	v32 =	vld [tilespmem:s8+$0x8100];
	v16 =	vmul.f32 v25, v16;
	v20 =	vmul.f32 v20, v12  }
0x1d9: {  	s0 =	sshra.s32 s24, $0x2;
	s1 =	sadd.s32 s9, s24;
	s9 =	sor.u32 s11, s12;
	v24 =	vmul.f32 v24, v30;
	v28 =	vmul.f32 v28, v30;
	v25 =	vld [tilespmem:s21+$0x8000];
	v36 =	vadd.f32 v22, v33  }
0x1da: {  	s11 =	sadd.s32 $0x30, s7;
	s12 =	sadd.s32 $0xC0, s24;
	s14 =	sadd.s32 $0x50, s7;
	v37 =	vmul.f32 v23, v30;
	v26 =	vmul.f32 v26, v30;
	v22 =	vld [tilespmem:s0+$0x1A040];
	v20 =	vadd.f32 v20, v13  }
0x1db: {  	s10 =	sadd.s32 s10, s13;
	s13 =	sadd.s32 $0x140, s24;
	s15 =	sadd.s32 $0x10, s1;
	v16 =	vadd.f32 v16, v19;
	v19 =	vadd.f32 v31, v33;
	v30 =	vld [tilespmem:s21+$0x8080];
	v35 =	vmul.f32 v35, v7;
	[tilespmem:s3+$0x14000] =	vst v36  }
0x1dc: {  	s11 =	sand.u32 $0x70, s11;
	s12 =	sand.u32 $0xFE00, s12;
	s14 =	sand.u32 $0x70, s14;
	v23 =	vld [tilespmem:s0+$0x1B840];
	v27 =	vmul.f32 v27, v6;
	v17 =	vmul.f32 v20, v17;
	v20 =	vadd.f32 v34, v33  }
0x1dd: {  	s16 =	sor.u32 $0x180, s1;
	s1 =	sand.u32 $0xFE00, s13;
	v31 =	vld [tilespmem:s21+$0x8100];
	v34 =	vadd.f32 v35, v9;
	v32 =	vmul.f32 v32, v11;
	[tilespmem:s22+$0x14000] =	vst v16;
	s22 =	sor.u32 $0x180, s15;
	v16 =	vadd.f32 v29, v33  }
0x1de: {  	s13 =	sor.u32 $0x180, s10;
	s11 =	sor.u32 s11, s12;
	s10 =	sor.u32 s14, s1;
	v25 =	vmul.f32 v25, v7;
	v29 =	vld [tilespmem:s5+$0x8000];
	v27 =	vadd.f32 v27, v8;
	v17 =	vadd.f32 v17, v18;
	[tilespmem:s3+$0x14080] =	vst v19  }
0x1df: {  	s1 =	smov.u32 s29;
	s29 =	smov.u32 s16;
	v18 =	vld [tilespmem:s5+$0x8080];
	v19 =	vmul.f32 v34, v22;
	v32 =	vadd.f32 v32, v10;
	[tilespmem:s3+$0x14100] =	vst v20;
	v20 =	vadd.f32 v24, v21  }
0x1e0: {  	v24 =	vadd.f32 v25, v9;
	v25 =	vmul.f32 v30, v6;
	v30 =	vld [tilespmem:s5+$0x8100];
	v27 =	vmul.f32 v27, v22;
	[tilespmem:s23+$0x14000] =	vst v17;
	s23 =	smov.u32 s13  }
0x1e1: {  	s25 =	sadd.s32 $0x3, s25;
	v28 =	vadd.f32 v28, v21;
	v17 =	vld [tilespmem:s2+$0x8000];
	v19 =	vadd.f32 v19, v23;
	v32 =	vmul.f32 v32, v22;
	[tilespmem:s3+$0x14180] =	vst v16;
	s3 =	smov.u32 s11  }
0x1e2: {  	s11 =	sand.u32 $0x3, s25;
	v33 =	vld [tilespmem:s2+$0x8080];
	v25 =	vadd.f32 v25, v8;
	v31 =	vmul.f32 v31, v11;
	v27 =	vadd.f32 v27, v23;
	[tilespmem:s6+$0x14000] =	vst v20  }
0x1e3: {  	s11 =	sshll.u32 s11, $0x5;
	v34 =	vld [tilespmem:s2+$0x8100];
	v29 =	vmul.f32 v29, v7;
	[tilespmem:s8+$0x14000] =	vst v19;
	v19 =	vadd.f32 v32, v23;
	v32 =	vadd.f32 v37, v21  }
0x1e4: {  	s11 =	sadd.s32 s11, s30;
	v21 =	vadd.f32 v26, v21;
	v16 =	vld [tilespmem:s9+$0x1A000];
	v31 =	vadd.f32 v31, v10;
	v18 =	vmul.f32 v18, v6;
	[tilespmem:s8+$0x14080] =	vst v27  }
0x1e5: {  	v20 =	vld [tilespmem:s0+$0x1A000];
	v26 =	vadd.f32 v29, v9;
	v27 =	vmul.f32 v30, v11;
	[tilespmem:s8+$0x14100] =	vst v19;
	s8 =	sor.u32 $0x180, s11  }
0x1e6: {  	v19 =	vmul.f32 v17, v7;
	v29 =	vadd.f32 v18, v8;
	v30 =	vld [tilespmem:s8+$0x8000];
	[tilespmem:s6+$0x14080] =	vst v28  }
0x1e7: {  	v18 =	vmul.f32 v33, v6;
	v17 =	vld [tilespmem:s0+$0x1A020];
	v27 =	vadd.f32 v27, v10;
	[tilespmem:s6+$0x14100] =	vst v32  }
0x1e8: {  	v28 =	vadd.f32 v19, v9;
	v32 =	vmul.f32 v34, v11;
	v19 =	vld [tilespmem:s9+$0x1B800];
	[tilespmem:s6+$0x14180] =	vst v21;
	s6 =	smov.u32 s10  }
0x1e9: {  	v21 =	vld [tilespmem:s0+$0x1B800];
	v33 =	vadd.f32 v18, v8;
	v24 =	vmul.f32 v24, v16;
	v25 =	vmul.f32 v25, v16  }
0x1ea: {  	v31 =	vmul.f32 v31, v16;
	v28 =	vmul.f32 v28, v20;
	v32 =	vadd.f32 v32, v10;
	v18 =	vld [tilespmem:s0+$0x1B820]  }
0x1eb: {  	v33 =	vmul.f32 v33, v20;
	v30 =	vmul.f32 v30, v12;
	v34 =	vld [tilespmem:s1+$0x8000]  }
0x1ec: {  	v26 =	vmul.f32 v26, v17;
	v35 =	vmul.f32 v29, v17;
	v36 =	vld [tilespmem:s3+$0x8000]  }
0x1ed: {  	v37 =	vmul.f32 v32, v20;
	v27 =	vmul.f32 v27, v17;
	v38 =	vld [tilespmem:s3+$0x8080];
	v30 =	vadd.f32 v30, v13  }
0x1ee: {  	v24 =	vadd.f32 v24, v19;
	v25 =	vadd.f32 v25, v19;
	v39 =	vld [tilespmem:s3+$0x8100]  }
.Ltmp3:
0x1ef: {  	v40 =	vadd.f32 v31, v19;
	v31 =	vadd.f32 v26, v18;
	v29 =	vld [tilespmem:s3+$0x8180];
	v22 =	vmul.f32 v30, v22;
	(pc) =	sbr.rel @p1 .LBB2_9-.Ltmp3, $4  }
0x1f0: {  	v32 =	vadd.f32 v35, v18;
	v30 =	vadd.f32 v27, v18;
	[tilespmem:s21+$0x14000] =	vst v24;
	v27 =	vld [tilespmem:s6+$0x8000];
	v35 =	vmul.f32 v34, v12  }
0x1f1: {  	v24 =	vadd.f32 v28, v21;
	[tilespmem:s21+$0x14080] =	vst v25;
	v34 =	vmul.f32 v36, v7;
	v41 =	vadd.f32 v22, v23;
	v28 =	vld [tilespmem:s6+$0x8080]  }
0x1f2: {  	v25 =	vadd.f32 v33, v21;
	v23 =	vadd.f32 v37, v21;
	[tilespmem:s21+$0x14100] =	vst v40;
	v36 =	vmul.f32 v38, v6;
	v26 =	vld [tilespmem:s6+$0x8100]  }
0x1f3: {  	s28 =	sadd.s32 $0x3, s28;
	v35 =	vadd.f32 v35, v13;
	v33 =	vld [tilespmem:s22+$0x8000];
	v22 =	vadd.f32 v34, v9;
	v34 =	vmul.f32 v39, v11;
	[tilespmem:s8+$0x14000] =	vst v41  }
0x1f4: {  	[tilespmem:s5+$0x14000] =	vst v31  }
0x1f5: {  	[tilespmem:s5+$0x14080] =	vst v32;
	v40 =	vld [tilespmem:s0+$0x1A030]  }
0x1f6: {  	[tilespmem:s5+$0x14100] =	vst v30;
	v29 =	vmul.f32 v29, v12;
	v41 =	vld [tilespmem:s6+$0x8180]  }
0x1f7: {  	v63 =	vadd.f32 v36, v8;
	[tilespmem:s2+$0x14000] =	vst v24;
	v43 =	vld [tilespmem:s0+$0x1B830];
	v7 =	vmul.f32 v27, v7  }
0x1f8: {  	[tilespmem:s2+$0x14080] =	vst v25;
	v46 =	vld [tilespmem:s0+$0x1A050];
	v34 =	vadd.f32 v34, v10;
	v14 =	vmul.f32 v35, v14;
	v45 =	vadd.f32 v29, v13  }
0x1f9: {  	[tilespmem:s2+$0x14100] =	vst v23;
	v30 =	vld [tilespmem:s23+$0x8000];
	v6 =	vmul.f32 v28, v6;
	v7 =	vadd.f32 v7, v9;
	v11 =	vmul.f32 v26, v11  }
0x1fa: {  	v49 =	vld [tilespmem:s29+$0x8000];
	v47 =	vadd.f32 v14, v15;
	v62 =	vmul.f32 v33, v12;
	v50 =	vmul.f32 v22, v40  }
0x1fb: {  	v51 =	vld [tilespmem:s0+$0x1B850];
	v6 =	vadd.f32 v6, v8;
	v52 =	vmul.f32 v63, v40;
	v54 =	vadd.f32 v11, v10  }
0x1fc: {  	v55 =	vmul.f32 v34, v40;
	v57 =	vmul.f32 v41, v12;
	v56 =	vadd.f32 v50, v43  }
0x1fd: {  	[tilespmem:s1+$0x14000] =	vst v47;
	v58 =	vmul.f32 v45, v40;
	v7 =	vmul.f32 v7, v46;
	v8 =	vadd.f32 v52, v43  }
0x1fe: {  	v30 =	vmul.f32 v30, v12;
	v42 =	vadd.f32 v62, v13;
	v11 =	vadd.f32 v55, v43;
	[tilespmem:s3+$0x14000] =	vst v56  }
0x1ff: {  	v59 =	vmul.f32 v49, v12;
	v6 =	vmul.f32 v6, v46;
	v60 =	vadd.f32 v58, v43;
	[tilespmem:s3+$0x14080] =	vst v8  }
0x200: {  	v9 =	vadd.f32 v57, v13;
	v61 =	vmul.f32 v54, v46;
	v7 =	vadd.f32 v7, v51;
	[tilespmem:s3+$0x14100] =	vst v11  }
0x201: {  	v44 =	vadd.f32 v30, v13;
	v16 =	vmul.f32 v42, v16;
	v6 =	vadd.f32 v6, v51;
	[tilespmem:s3+$0x14180] =	vst v60  }
0x202: {  	v62 =	vadd.f32 v59, v13;
	v9 =	vmul.f32 v9, v46;
	[tilespmem:s6+$0x14000] =	vst v7;
	v7 =	vadd.f32 v61, v51  }
0x203: {  	v48 =	vmul.f32 v44, v17;
	v16 =	vadd.f32 v16, v19;
	[tilespmem:s6+$0x14080] =	vst v6  }
0x204: {  	v63 =	vmul.f32 v62, v20;
	v9 =	vadd.f32 v9, v51;
	[tilespmem:s6+$0x14100] =	vst v7  }
0x205: {  	v53 =	vadd.f32 v48, v18;
	[tilespmem:s22+$0x14000] =	vst v16  }
0x206: {  	v6 =	vadd.f32 v63, v21;
	[tilespmem:s6+$0x14180] =	vst v9  }
0x207: {  	[tilespmem:s23+$0x14000] =	vst v53  }
0x208: {  	[tilespmem:s29+$0x14000] =	vst v6  }
0x209: {  	[bflag:$0x0] =	sbarrier.arrive $0xFFFF  }
0x20a: {  	v6 =	vld.msk @!p0 [tilespmem:s19+$0x180], $0xf;
	_ =	sdelay $0x4  }
0x20b: {  	v7 =	vshrl.u32 @!p0 v6, $0x3  }
0x20c: {  	v7 =	vmul.u32 @!p0 $0x180, v7  }
0x20d: {  	v8 =	vlaneseq.u32 @!p0;
	v6 =	vand.u32 @!p0 $0x7, v6  }
0x20e: {  	v6 =	vor.u32 @!p0 v6, v7;
	v7 =	vand.u32 @!p0 $0x3, v8;
	v8 =	vshrl.u32 @!p0 v8, $0x2  }
0x20f: {  	v6 =	vperm.xlane @!p0 v6, v7;
	v7 =	vmul.u32 @!p0 $0x8, v8;
	_ =	sdelay $0x1  }
0x210: {  	v6 =	vadd.s32 @!p0 v7, v6;
	_ =	sdelay $0x3  }
0x211: {  	s0 =	simm.s32 @!p0 $0x0;
	s1 =	simm.s32 @!p0 $0x8000  }
0x212: {  	[tilespmem:s1], [sflag:$0x2] =	stream.indirect_vreg.gather @!p0 [hbm4b:s17+s0], $0x80, v6, vm1, $0xb8;
	[tilespmem:$0x1D000] =	vst v63  }
0x213: {  	s1 =	simm.s32 @!p0 $0x8800  }
0x214: {  	[tilespmem:s1], [sflag:$0x2] =	stream.indirect_vreg.gather @!p0 [hbm4b:s18+s0], $0x80, v6, vm1, $0xb8;
	[tilespmem:$0x1D000] =	vst v63  }
0x215: {  	s16 =	rddreg [dreg:$0x7];
	s1 =	simm.s32 @!p0 $0x9000  }
0x216: {  	[tilespmem:s1], [sflag:$0x2] =	stream.indirect_vreg.gather @!p0 [hbm4b:s16+s0], $0x80, v6, vm1, $0xb8;
	[tilespmem:$0x1D000] =	vst v63  }
0x217: {  	s2 =	rddreg [dreg:$0x8];
	s1 =	simm.s32 @!p0 $0x9800  }
0x218: {  	[tilespmem:s1], [sflag:$0x2] =	stream.indirect_vreg.gather @!p0 [hbm4b:s2+s0], $0x80, v6, vm1, $0xb8;
	[tilespmem:$0x1D000] =	vst v63  }
0x219: {  	s1 =	simm.s32 @!p0 $0xA000;
	s2 =	rddreg [dreg:$0x9]  }
0x21a: {  	[tilespmem:s1], [sflag:$0x2] =	stream.indirect_vreg.gather @!p0 [hbm4b:s2+s0], $0x80, v6, vm1, $0xb8;
	[tilespmem:$0x1D000] =	vst v63  }
0x21b: {  	s1 =	simm.s32 @!p0 $0xA800;
	s2 =	rddreg [dreg:$0xa]  }
0x21c: {  	[tilespmem:s1], [sflag:$0x2] =	stream.indirect_vreg.gather @!p0 [hbm4b:s2+s0], $0x80, v6, vm1, $0xb8;
	[tilespmem:$0x1D000] =	vst v63  }
0x21d: {  	s1 =	simm.s32 @!p0 $0xB000;
	s2 =	rddreg [dreg:$0xb]  }
0x21e: {  	[tilespmem:s1], [sflag:$0x2] =	stream.indirect_vreg.gather @!p0 [hbm4b:s2+s0], $0x80, v6, vm1, $0xb8;
	[tilespmem:$0x1D000] =	vst v63  }
0x21f: {  	s1 =	simm.s32 @!p0 $0xB800;
	s2 =	rddreg [dreg:$0xc]  }
0x220: {  	[tilespmem:s1], [sflag:$0x2] =	stream.indirect_vreg.gather @!p0 [hbm4b:s2+s0], $0x80, v6, vm1, $0xb8;
	[tilespmem:$0x1D000] =	vst v63  }
0x221: {  	s1 =	simm.s32 @!p0 $0xC000;
	s2 =	rddreg [dreg:$0xd]  }
0x222: {  	[tilespmem:s1], [sflag:$0x2] =	stream.indirect_vreg.gather @!p0 [hbm4b:s2+s0], $0x80, v6, vm1, $0xb8;
	[tilespmem:$0x1D000] =	vst v63  }
0x223: {  	s1 =	simm.s32 @!p0 $0xC800;
	s2 =	rddreg [dreg:$0xe]  }
0x224: {  	[tilespmem:s1], [sflag:$0x2] =	stream.indirect_vreg.gather @!p0 [hbm4b:s2+s0], $0x80, v6, vm1, $0xb8;
	[tilespmem:$0x1D000] =	vst v63  }
0x225: {  	s1 =	simm.s32 @!p0 $0xD000;
	s2 =	rddreg [dreg:$0xf]  }
0x226: {  	[tilespmem:s1], [sflag:$0x2] =	stream.indirect_vreg.gather @!p0 [hbm4b:s2+s0], $0x80, v6, vm1, $0xb8;
	[tilespmem:$0x1D000] =	vst v63  }
0x227: {  	s4 =	sadd.s32 $0x1, s4;
	s1 =	simm.s32 @!p0 $0xD800;
	s2 =	rddreg [dreg:$0x10]  }
0x228: {  	[tilespmem:s1], [sflag:$0x2] =	stream.indirect_vreg.gather @!p0 [hbm4b:s2+s0], $0x80, v6, vm1, $0xb8;
	[tilespmem:$0x1D000] =	vst v63  }
0x229: {  	p0 =	sne.s32 s4, $0x20  }
.Ltmp4:
0x22a: {  	_ = 	snop;
	(pc) =	sbr.rel @p0 .LBB2_2-.Ltmp4, $4  }
0x22b: {  	s14 =	smov.u32 s17  }
0x22c: {  	s15 =	smov.u32 s18;
	s30 =	simm.s32 $0x400;
	s28 =	rddreg [dreg:$0x12]  }
0x22d: {  	s31 =	simm.s32 $0x14000;
	s29 =	simm.s32 $0x200;
	s0 =	sadd.s32 s20, s28  }
0x22e: {  	[hbm4b:s0+s29] =	stream.strided.scatter [tilespmem:s31], [sflag:$0x4], $0x6000, s30, s29, $0x38;
	[tilespmem:$0x1D000] =	vst v63  }
0x22f: {  	s0 =	simm.s32 $0x3  }
0x230: {  	_ =	swait.ge [sflag:s0], $0x6000  }
0x231: {  	[sflag:s0] =	ssyncset.done $0x0  }
0x232: {  	s1 =	simm.s32 $0x4;
	[sflag:s0] =	ssyncadd.s32 $0xFFFFA000  }
0x233: {  	_ =	swait.ge [sflag:s1], $0x6000  }
0x234: {  	s2 =	rddreg [dreg:$0x14]  }
0x235: {  	s31 =	rddreg [dreg:$0x13];
	s2 =	sadd.s32 $0x1, s2  }
0x236: {  	p0 =	sne.s32 s2, s31  }
.Ltmp5:
0x237: {  	_ = 	snop;
	(pc) =	sbr.rel @p0 .LBB2_1-.Ltmp5, $3  }
0x238: {  	_ =	sdelay $0x1  }
0x239: {  	[sflag:s1] =	ssyncset.done $0x0  }
0x23a: {  	[sflag:s1] =	ssyncadd.s32 $0xFFFFA000  }
0x23b: {  	_ =	sfence.sel $0x180000  }
0x23c: {  	[bflag:$0x0] =	sbarrier.arrive $0xFFFF  }
0x23d: {  	_ =	strace $0x90000047  }
0x23e: {  	s0 =	stileid.u32;
	[bflag:$0x2] =	sbarrier.arrive $0xFFFF  }
0x23f: {  	p0 =	sne.s32 s0, $0x0;
	s0 =	rddreg [dreg:$0x5]  }
0x240: {  	s0 =	sadd.s32 @!p0 $0x100000, s0  }
0x241: {  	[sflag:s0] =	ssyncadd.tile.s32 @!p0 $0x1;
	_ =	shalt  }
.Lfunc_end2:
_tile_overlayer_lowered:
.L_overlay_start_2:
0x242: {  	(tag) =	ssettag $0x2  }
0x243: {  	s0 =	rddreg [dreg:$0x0];
	s2 =	stileid.u32  }
0x244: {  	s1 =	rddreg [dreg:$0x1];
	p0 =	sne.s32 s2, $0x0  }
0x245: {  	s3 =	rddreg [dreg:$0x2];
	[bflag:$0x3] =	sbarrier.arrive $0xFFFF;
	s2 =	simm.s32 @!p0 $0x1C05  }
0x246: {  	[timem:s3], [sflag:s2] =	dma.local @!p0 [hbm:s0], s1  }
0x247: {  	s0 =	simm.s32 @!p0 $0x5  }
0x248: {  	_ =	swait.ge @!p0 [sflag:s0], s1  }
0x249: {  	s1 =	ssub.s32 @!p0 $0x0, s1;
	[sflag:s0] =	ssyncset.done @!p0 $0x0  }
0x24a: {  	[sflag:s0] =	ssyncadd.s32 @!p0 s1  }
0x24b: {  	[bflag:$0x3] =	sbarrier.arrive $0xFFFF  }
0x24c: {  	_ =	shalt  }

</sc_bundles>
